<compile_context>
chip_gen: v7x
topology: tpu7x:2x2x1
jax: 0.10.2.dev20260603
libtpu: 0.0.44.dev20260713+nightly
codegen_flags: <defaults>
</compile_context>

<pallas_src>
import jax
import jax.numpy as jnp
from jax import lax
from jax.experimental import pallas as pl
from jax.experimental.pallas import tpu as pltpu
from jax.experimental.pallas import tpu_sc as plsc

B = 16384
D = 32
NC, NS, L = 2, 16, 16
NW = NC * NS
BPW = B // NW
NP = 2
BPP = BPW // NP
NGP = BPP // L


def _mf_body(u_hbm, i_hbm, ub_hbm, uv_hbm, ib_hbm, iv_hbm, g_hbm, lane_hbm,
             out_hbm,
             u_idx, i_idx, u4, i4, vu, vi, bu, bi, outv, gv, lanev, tbuf,
             sem):
    wid = lax.axis_index("s") * NC + lax.axis_index("c")

    pltpu.sync_copy(u_hbm.at[wid], u_idx)
    pltpu.sync_copy(i_hbm.at[wid], i_idx)
    pltpu.sync_copy(g_hbm, gv)
    pltpu.sync_copy(lane_hbm, lanev)

    bias_copies = [
        pltpu.async_copy(ub_hbm.at[u_idx], bu, sem),
        pltpu.async_copy(ib_hbm.at[i_idx], bi, sem),
    ]

    gvv = gv[...]
    lane16 = lanev[...]

    for p in range(NP):
        poff = p * BPP
        def mkidx(c, _):
            base = pl.multiple_of(c * L, L)
            s = pl.ds(base, L)
            sp = pl.ds(poff + base, L)
            u4[s] = lax.shift_right_logical(u_idx[sp], 2)
            i4[s] = lax.shift_right_logical(i_idx[sp], 2)
            return _
        lax.fori_loop(0, NGP, mkidx, 0)

        copies = [
            pltpu.async_copy(uv_hbm.at[u4], vu, sem),
            pltpu.async_copy(iv_hbm.at[i4], vi, sem),
        ]
        for cp in copies:
            cp.wait()

        def group(gg, _):
            gbase = pl.multiple_of(gg * L, L)
            uvals = u_idx[pl.ds(poff + gbase, L)]
            ivals = i_idx[pl.ds(poff + gbase, L)]
            for r in range(L):
                b = gbase + r
                ou = (uvals[r] & 3) * 32
                oi = (ivals[r] & 3) * 32
                a0 = vu[b, pl.ds(ou, L)]
                a1 = vu[b, pl.ds(ou + L, L)]
                c0 = vi[b, pl.ds(oi, L)]
                c1 = vi[b, pl.ds(oi + L, L)]
                plsc.store_scatter(tbuf, [lane16 + r], a0 * c0 + a1 * c1)
            acc = tbuf[pl.ds(0, L)]
            for l in range(1, L):
                acc = acc + tbuf[pl.ds(l * L, L)]
            outv[pl.ds(poff + gbase, L)] = acc
            return _

        lax.fori_loop(0, NGP, group, 0)

    for cp in bias_copies:
        cp.wait()

    def addbias(c, _):
        s = pl.ds(pl.multiple_of(c * L, L), L)
        outv[s] = outv[s] + gvv + bu[s] + bi[s]
        return _
    lax.fori_loop(0, BPW // L, addbias, 0)

    pltpu.sync_copy(outv, out_hbm.at[pl.ds(wid * BPW, BPW)])


@jax.jit
def _mf(u, i, user_bias, user_vec, item_bias, item_vec, glob_bias, lane):
    mesh = plsc.VectorSubcoreMesh(core_axis_name="c", subcore_axis_name="s",
                                  num_cores=NC, num_subcores=NS)
    return pl.kernel(
        _mf_body,
        out_type=jax.ShapeDtypeStruct((B,), jnp.float32),
        mesh=mesh,
        compiler_params=pltpu.CompilerParams(
            needs_layout_passes=False, use_tc_tiling_on_sc=True),
        scratch_types=[
            pltpu.VMEM((BPW,), jnp.int32),
            pltpu.VMEM((BPW,), jnp.int32),
            pltpu.VMEM((BPP,), jnp.int32),
            pltpu.VMEM((BPP,), jnp.int32),
            pltpu.VMEM((BPP, 128), jnp.float32),
            pltpu.VMEM((BPP, 128), jnp.float32),
            pltpu.VMEM((BPW,), jnp.float32),
            pltpu.VMEM((BPW,), jnp.float32),
            pltpu.VMEM((BPW,), jnp.float32),
            pltpu.VMEM((L,), jnp.float32),
            pltpu.VMEM((L,), jnp.int32),
            pltpu.VMEM((L * L,), jnp.float32),
            pltpu.SemaphoreType.DMA,
        ],
    )(u, i, user_bias, user_vec.reshape(-1, 128), item_bias,
      item_vec.reshape(-1, 128), glob_bias, lane)


def kernel(u, i, user_bias, user_vec, item_bias, item_vec, glob_bias):
    u = u.astype(jnp.int32).reshape(NW, BPW)
    i = i.astype(jnp.int32).reshape(NW, BPW)
    glob = jnp.broadcast_to(glob_bias.reshape(1), (L,))
    lane = (jnp.arange(L, dtype=jnp.int32) * L)
    return _mf(u, i, user_bias, user_vec, item_bias, item_vec, glob, lane)

# --- scband reference (transcript-rebuilt; emitter-appended) ---
"""Pipeline reference for scband-mf-88424786690602 (READ-ONLY COPY).

The authoritative reference and input builder live on the scoring server;
editing this copy changes nothing except your own understanding.
"""

import jax, jax.numpy as jnp
import numpy as np

N_USERS = 1_000_000
N_ITEMS = 1_000_000
D = 32
B = 16384


def setup_inputs(seed: int = 0) -> dict:
    key = jax.random.key(seed)
    k_u, k_i, k_ub, k_uv, k_ib, k_iv, k_g = jax.random.split(key, 7)
    u = jax.random.randint(k_u, (B,), 0, N_USERS, dtype=jnp.int64 if jax.config.jax_enable_x64 else jnp.int32)
    i = jax.random.randint(k_i, (B,), 0, N_ITEMS, dtype=jnp.int64 if jax.config.jax_enable_x64 else jnp.int32)
    user_bias = jax.random.normal(k_ub, (N_USERS,), dtype=jnp.float32) * 0.01
    user_vec = jax.random.normal(k_uv, (N_USERS, D), dtype=jnp.float32) * 0.01
    item_bias = jax.random.normal(k_ib, (N_ITEMS,), dtype=jnp.float32) * 0.01
    item_vec = jax.random.normal(k_iv, (N_ITEMS, D), dtype=jnp.float32) * 0.01
    glob_bias = jax.random.normal(k_g, (1, 1), dtype=jnp.float32) * 0.01
    return {"u": u, "i": i, "user_bias": user_bias, "user_vec": user_vec,
            "item_bias": item_bias, "item_vec": item_vec, "glob_bias": glob_bias}


def reference(u, i, user_bias, user_vec, item_bias, item_vec, glob_bias):
    # BiasedEmbedding(u) -> (bias[u], vec[u])
    bu = jnp.take(user_bias, u, axis=0)            # [B]
    vu = jnp.take(user_vec, u, axis=0)             # [B, D]
    bi = jnp.take(item_bias, i, axis=0)            # [B]
    vi = jnp.take(item_vec, i, axis=0)             # [B, D]
    bias = jnp.broadcast_to(glob_bias, (u.shape[0], 1)).squeeze(-1)  # [B]
    intx = (vu * vi).sum(axis=1)                   # [B]
    logodds = bias + bi + bu + intx
    return logodds

if __name__ == "__main__":
    import jax
    _d = setup_inputs()
    print(jax.jit(kernel)(*tuple(_d.values())))

</pallas_src>

<mosaic_0001>
#map = affine_map<(d0, d1) -> (0, 0)>
#map1 = affine_map<(d0, d1) -> (0)>
module attributes {stable_mosaic.version = 14 : i64} {
  func.func @_mf_body(%arg0: i32, %arg1: i32, %arg2: memref<32x512xi32, #tpu.memory_space<hbm>>, %arg3: memref<32x512xi32, #tpu.memory_space<hbm>>, %arg4: memref<1000000xf32, #tpu.memory_space<hbm>>, %arg5: memref<250000x128xf32, #tpu.memory_space<hbm>>, %arg6: memref<1000000xf32, #tpu.memory_space<hbm>>, %arg7: memref<250000x128xf32, #tpu.memory_space<hbm>>, %arg8: memref<16xf32, #tpu.memory_space<hbm>>, %arg9: memref<16xi32, #tpu.memory_space<hbm>>, %arg10: memref<16384xf32, #tpu.memory_space<hbm>>, %arg11: memref<512xi32, #tpu.memory_space<vmem>>, %arg12: memref<512xi32, #tpu.memory_space<vmem>>, %arg13: memref<256xi32, #tpu.memory_space<vmem>>, %arg14: memref<256xi32, #tpu.memory_space<vmem>>, %arg15: memref<256x128xf32, #tpu.memory_space<vmem>>, %arg16: memref<256x128xf32, #tpu.memory_space<vmem>>, %arg17: memref<512xf32, #tpu.memory_space<vmem>>, %arg18: memref<512xf32, #tpu.memory_space<vmem>>, %arg19: memref<512xf32, #tpu.memory_space<vmem>>, %arg20: memref<16xf32, #tpu.memory_space<vmem>>, %arg21: memref<16xi32, #tpu.memory_space<vmem>>, %arg22: memref<256xf32, #tpu.memory_space<vmem>>, %arg23: memref<!tpu.dma_semaphore, #tpu.memory_space<semaphore_mem>>) attributes {dimension_semantics = [#tpu.dimension_semantics<core_parallel>, #tpu.dimension_semantics<subcore_parallel>], iteration_bounds = array<i64: 2, 16>, scalar_prefetch = 0 : i64, scratch_operands = 13 : i64, tpu.core_type = #tpu.core_type<sc_vector_subcore>, window_params = [{transform_indices = #map}, {transform_indices = #map}, {transform_indices = #map1}, {transform_indices = #map}, {transform_indices = #map1}, {transform_indices = #map}, {transform_indices = #map1}, {transform_indices = #map1}, {transform_indices = #map1}]} {
    %mul3A = arith.constant 2 : i32
    %mul3A_0 = arith.muli %arg1, %mul3A : i32
    %add3A = arith.addi %mul3A_0, %arg0 : i32
    "tpu.region"() ({
      %run_scoped3A = tpu.sem_alloc : memref<!tpu.dma_semaphore, #tpu.memory_space<semaphore_mem>>
      %dma_start3A_65 = arith.constant 0 : i32
      %dma_start3A_66 = tpu.memref_slice %arg2[%add3A, %dma_start3A_65] : memref<32x512xi32, #tpu.memory_space<hbm>> -> memref<1x512xi32, #tpu.memory_space<hbm>>
      %dma_start3A_67 = tpu.memref_squeeze %dma_start3A_66 : memref<1x512xi32, #tpu.memory_space<hbm>> -> memref<512xi32, #tpu.memory_space<hbm>>
      %dma_start3A_68 = arith.constant 0 : i32
      %dma_start3A_69 = tpu.memref_slice %arg2[%add3A, %dma_start3A_68] : memref<32x512xi32, #tpu.memory_space<hbm>> -> memref<1x512xi32, #tpu.memory_space<hbm>>
      %dma_start3A_70 = tpu.memref_squeeze %dma_start3A_69 : memref<1x512xi32, #tpu.memory_space<hbm>> -> memref<512xi32, #tpu.memory_space<hbm>>
      tpu.enqueue_dma source(%dma_start3A_70 : memref<512xi32, #tpu.memory_space<hbm>>) target(%arg11 : memref<512xi32, #tpu.memory_space<vmem>>) target_semaphore(%run_scoped3A : memref<!tpu.dma_semaphore, #tpu.memory_space<semaphore_mem>>)
      %dma_wait3A_71 = arith.constant 0 : i32
      %dma_wait3A_72 = tpu.memref_slice %arg2[%add3A, %dma_wait3A_71] : memref<32x512xi32, #tpu.memory_space<hbm>> -> memref<1x512xi32, #tpu.memory_space<hbm>>
      %dma_wait3A_73 = tpu.memref_squeeze %dma_wait3A_72 : memref<1x512xi32, #tpu.memory_space<hbm>> -> memref<512xi32, #tpu.memory_space<hbm>>
      %dma_wait3A_74 = arith.constant 0 : i32
      %dma_wait3A_75 = tpu.memref_slice %arg2[%add3A, %dma_wait3A_74] : memref<32x512xi32, #tpu.memory_space<hbm>> -> memref<1x512xi32, #tpu.memory_space<hbm>>
      %dma_wait3A_76 = tpu.memref_squeeze %dma_wait3A_75 : memref<1x512xi32, #tpu.memory_space<hbm>> -> memref<512xi32, #tpu.memory_space<hbm>>
      tpu.wait_dma2 semaphore(%run_scoped3A : memref<!tpu.dma_semaphore, #tpu.memory_space<semaphore_mem>>) src(%dma_wait3A_76 : memref<512xi32, #tpu.memory_space<hbm>>) dst(%arg11 : memref<512xi32, #tpu.memory_space<vmem>>)
      tpu.yield
    }) : () -> ()
    "tpu.region"() ({
      %run_scoped3A = tpu.sem_alloc : memref<!tpu.dma_semaphore, #tpu.memory_space<semaphore_mem>>
      %dma_start3A_65 = arith.constant 0 : i32
      %dma_start3A_66 = tpu.memref_slice %arg3[%add3A, %dma_start3A_65] : memref<32x512xi32, #tpu.memory_space<hbm>> -> memref<1x512xi32, #tpu.memory_space<hbm>>
      %dma_start3A_67 = tpu.memref_squeeze %dma_start3A_66 : memref<1x512xi32, #tpu.memory_space<hbm>> -> memref<512xi32, #tpu.memory_space<hbm>>
      %dma_start3A_68 = arith.constant 0 : i32
      %dma_start3A_69 = tpu.memref_slice %arg3[%add3A, %dma_start3A_68] : memref<32x512xi32, #tpu.memory_space<hbm>> -> memref<1x512xi32, #tpu.memory_space<hbm>>
      %dma_start3A_70 = tpu.memref_squeeze %dma_start3A_69 : memref<1x512xi32, #tpu.memory_space<hbm>> -> memref<512xi32, #tpu.memory_space<hbm>>
      tpu.enqueue_dma source(%dma_start3A_70 : memref<512xi32, #tpu.memory_space<hbm>>) target(%arg12 : memref<512xi32, #tpu.memory_space<vmem>>) target_semaphore(%run_scoped3A : memref<!tpu.dma_semaphore, #tpu.memory_space<semaphore_mem>>)
      %dma_wait3A_71 = arith.constant 0 : i32
      %dma_wait3A_72 = tpu.memref_slice %arg3[%add3A, %dma_wait3A_71] : memref<32x512xi32, #tpu.memory_space<hbm>> -> memref<1x512xi32, #tpu.memory_space<hbm>>
      %dma_wait3A_73 = tpu.memref_squeeze %dma_wait3A_72 : memref<1x512xi32, #tpu.memory_space<hbm>> -> memref<512xi32, #tpu.memory_space<hbm>>
      %dma_wait3A_74 = arith.constant 0 : i32
      %dma_wait3A_75 = tpu.memref_slice %arg3[%add3A, %dma_wait3A_74] : memref<32x512xi32, #tpu.memory_space<hbm>> -> memref<1x512xi32, #tpu.memory_space<hbm>>
      %dma_wait3A_76 = tpu.memref_squeeze %dma_wait3A_75 : memref<1x512xi32, #tpu.memory_space<hbm>> -> memref<512xi32, #tpu.memory_space<hbm>>
      tpu.wait_dma2 semaphore(%run_scoped3A : memref<!tpu.dma_semaphore, #tpu.memory_space<semaphore_mem>>) src(%dma_wait3A_76 : memref<512xi32, #tpu.memory_space<hbm>>) dst(%arg12 : memref<512xi32, #tpu.memory_space<vmem>>)
      tpu.yield
    }) : () -> ()
    "tpu.region"() ({
      %run_scoped3A = tpu.sem_alloc : memref<!tpu.dma_semaphore, #tpu.memory_space<semaphore_mem>>
      tpu.enqueue_dma source(%arg8 : memref<16xf32, #tpu.memory_space<hbm>>) target(%arg20 : memref<16xf32, #tpu.memory_space<vmem>>) target_semaphore(%run_scoped3A : memref<!tpu.dma_semaphore, #tpu.memory_space<semaphore_mem>>)
      tpu.wait_dma2 semaphore(%run_scoped3A : memref<!tpu.dma_semaphore, #tpu.memory_space<semaphore_mem>>) src(%arg8 : memref<16xf32, #tpu.memory_space<hbm>>) dst(%arg20 : memref<16xf32, #tpu.memory_space<vmem>>)
      tpu.yield
    }) : () -> ()
    "tpu.region"() ({
      %run_scoped3A = tpu.sem_alloc : memref<!tpu.dma_semaphore, #tpu.memory_space<semaphore_mem>>
      tpu.enqueue_dma source(%arg9 : memref<16xi32, #tpu.memory_space<hbm>>) target(%arg21 : memref<16xi32, #tpu.memory_space<vmem>>) target_semaphore(%run_scoped3A : memref<!tpu.dma_semaphore, #tpu.memory_space<semaphore_mem>>)
      tpu.wait_dma2 semaphore(%run_scoped3A : memref<!tpu.dma_semaphore, #tpu.memory_space<semaphore_mem>>) src(%arg9 : memref<16xi32, #tpu.memory_space<hbm>>) dst(%arg21 : memref<16xi32, #tpu.memory_space<vmem>>)
      tpu.yield
    }) : () -> ()
    %dma_start3A = arith.constant 0 : i32
    %dma_start3A_1 = tpu.memref_slice %arg4[%dma_start3A] : memref<1000000xf32, #tpu.memory_space<hbm>> -> memref<1000000xf32, #tpu.memory_space<hbm>>
    tpu.enqueue_indirect_dma source(%dma_start3A_1 : memref<1000000xf32, #tpu.memory_space<hbm>>) target(%arg17 : memref<512xf32, #tpu.memory_space<vmem>>) offsets(%arg11 : memref<512xi32, #tpu.memory_space<vmem>>) semaphore(%arg23 : memref<!tpu.dma_semaphore, #tpu.memory_space<semaphore_mem>>)
    %dma_start3A_2 = arith.constant 0 : i32
    %dma_start3A_3 = tpu.memref_slice %arg6[%dma_start3A_2] : memref<1000000xf32, #tpu.memory_space<hbm>> -> memref<1000000xf32, #tpu.memory_space<hbm>>
    tpu.enqueue_indirect_dma source(%dma_start3A_3 : memref<1000000xf32, #tpu.memory_space<hbm>>) target(%arg18 : memref<512xf32, #tpu.memory_space<vmem>>) offsets(%arg12 : memref<512xi32, #tpu.memory_space<vmem>>) semaphore(%arg23 : memref<!tpu.dma_semaphore, #tpu.memory_space<semaphore_mem>>)
    %get3A = arith.constant 0 : index
    %get3A_4 = tpu.vector_load %arg20[%get3A] {strides = array<i32>} : memref<16xf32, #tpu.memory_space<vmem>>, vector<16xf32>,
    %get3A_5 = arith.constant 0 : index
    %get3A_6 = tpu.vector_load %arg21[%get3A_5] {strides = array<i32>} : memref<16xi32, #tpu.memory_space<vmem>>, vector<16xi32>,
    %scan3A = arith.constant 0 : i32
    %scan3A_7 = arith.constant 0 : i32
    %scan3A_8 = arith.constant 16 : i32
    %scan3A_9 = arith.addi %scan3A_7, %scan3A_8 : i32
    %scan3A_10 = arith.constant 1 : i32
    scf.for %scan3A_65 = %scan3A_7 to %scan3A_9 step %scan3A_10  : i32 {
      %mul3A_66 = arith.constant 16 : i32
      %mul3A_67 = arith.muli %scan3A_65, %mul3A_66 : i32
      %multiple_of3A = tpu.assume_multiple %mul3A_67, 16 : i32
      %add3A_68 = arith.constant 0 : i32
      %add3A_69 = arith.addi %add3A_68, %multiple_of3A : i32
      %get3A_70 = arith.index_cast %add3A_69 : i32 to index
      %get3A_71 = tpu.vector_load %arg11[%get3A_70] {strides = array<i32>} : memref<512xi32, #tpu.memory_space<vmem>>, vector<16xi32>,
      %shift_right_logical3A = arith.constant 2 : i32
      %shift_right_logical3A_72 = vector.broadcast %shift_right_logical3A : i32 to vector<16xi32>
      %shift_right_logical3A_73 = arith.shrui %get3A_71, %shift_right_logical3A_72 : vector<16xi32>
      %swap3A = arith.index_cast %multiple_of3A : i32 to index
      %swap3A_74 = tpu.vector_load %arg13[%swap3A] {strides = array<i32>} : memref<256xi32, #tpu.memory_space<vmem>>, vector<16xi32>,
      tpu.vector_store %arg13[%swap3A], %shift_right_logical3A_73 {strides = array<i32>} : memref<256xi32, #tpu.memory_space<vmem>>, vector<16xi32>,
      %get3A_75 = arith.index_cast %add3A_69 : i32 to index
      %get3A_76 = tpu.vector_load %arg12[%get3A_75] {strides = array<i32>} : memref<512xi32, #tpu.memory_space<vmem>>, vector<16xi32>,
      %shift_right_logical3A_77 = arith.constant 2 : i32
      %shift_right_logical3A_78 = vector.broadcast %shift_right_logical3A_77 : i32 to vector<16xi32>
      %shift_right_logical3A_79 = arith.shrui %get3A_76, %shift_right_logical3A_78 : vector<16xi32>
      %swap3A_80 = arith.index_cast %multiple_of3A : i32 to index
      %swap3A_81 = tpu.vector_load %arg14[%swap3A_80] {strides = array<i32>} : memref<256xi32, #tpu.memory_space<vmem>>, vector<16xi32>,
      tpu.vector_store %arg14[%swap3A_80], %shift_right_logical3A_79 {strides = array<i32>} : memref<256xi32, #tpu.memory_space<vmem>>, vector<16xi32>,
    }
    %scan3A_11 = arith.constant 16 : i32
    %dma_start3A_12 = arith.constant 0 : i32
    %dma_start3A_13 = arith.constant 0 : i32
    %dma_start3A_14 = tpu.memref_slice %arg5[%dma_start3A_12, %dma_start3A_13] : memref<250000x128xf32, #tpu.memory_space<hbm>> -> memref<250000x128xf32, #tpu.memory_space<hbm>>
    tpu.enqueue_indirect_dma source(%dma_start3A_14 : memref<250000x128xf32, #tpu.memory_space<hbm>>) target(%arg15 : memref<256x128xf32, #tpu.memory_space<vmem>>) offsets(%arg13 : memref<256xi32, #tpu.memory_space<vmem>>) semaphore(%arg23 : memref<!tpu.dma_semaphore, #tpu.memory_space<semaphore_mem>>)
    %dma_start3A_15 = arith.constant 0 : i32
    %dma_start3A_16 = arith.constant 0 : i32
    %dma_start3A_17 = tpu.memref_slice %arg7[%dma_start3A_15, %dma_start3A_16] : memref<250000x128xf32, #tpu.memory_space<hbm>> -> memref<250000x128xf32, #tpu.memory_space<hbm>>
    tpu.enqueue_indirect_dma source(%dma_start3A_17 : memref<250000x128xf32, #tpu.memory_space<hbm>>) target(%arg16 : memref<256x128xf32, #tpu.memory_space<vmem>>) offsets(%arg14 : memref<256xi32, #tpu.memory_space<vmem>>) semaphore(%arg23 : memref<!tpu.dma_semaphore, #tpu.memory_space<semaphore_mem>>)
    %dma_wait3A = arith.constant 0 : i32
    %dma_wait3A_18 = arith.constant 0 : i32
    %dma_wait3A_19 = tpu.memref_slice %arg5[%dma_wait3A, %dma_wait3A_18] : memref<250000x128xf32, #tpu.memory_space<hbm>> -> memref<250000x128xf32, #tpu.memory_space<hbm>>
    tpu.wait_indirect_dma semaphore(%arg23 : memref<!tpu.dma_semaphore, #tpu.memory_space<semaphore_mem>>) src(%dma_wait3A_19 : memref<250000x128xf32, #tpu.memory_space<hbm>>) dst(%arg15 : memref<256x128xf32, #tpu.memory_space<vmem>>)
    %dma_wait3A_20 = arith.constant 0 : i32
    %dma_wait3A_21 = arith.constant 0 : i32
    %dma_wait3A_22 = tpu.memref_slice %arg7[%dma_wait3A_20, %dma_wait3A_21] : memref<250000x128xf32, #tpu.memory_space<hbm>> -> memref<250000x128xf32, #tpu.memory_space<hbm>>
    tpu.wait_indirect_dma semaphore(%arg23 : memref<!tpu.dma_semaphore, #tpu.memory_space<semaphore_mem>>) src(%dma_wait3A_22 : memref<250000x128xf32, #tpu.memory_space<hbm>>) dst(%arg16 : memref<256x128xf32, #tpu.memory_space<vmem>>)
    %scan3A_23 = arith.constant 0 : i32
    %scan3A_24 = arith.constant 0 : i32
    %scan3A_25 = arith.constant 16 : i32
    %scan3A_26 = arith.addi %scan3A_24, %scan3A_25 : i32
    %scan3A_27 = arith.constant 1 : i32
    scf.for %scan3A_65 = %scan3A_24 to %scan3A_26 step %scan3A_27  : i32 {
      %mul3A_66 = arith.constant 16 : i32
      %mul3A_67 = arith.muli %scan3A_65, %mul3A_66 : i32
      %multiple_of3A = tpu.assume_multiple %mul3A_67, 16 : i32
      %add3A_68 = arith.constant 0 : i32
      %add3A_69 = arith.addi %add3A_68, %multiple_of3A : i32
      %get3A_70 = arith.index_cast %add3A_69 : i32 to index
      %get3A_71 = tpu.vector_load %arg11[%get3A_70] {strides = array<i32>} : memref<512xi32, #tpu.memory_space<vmem>>, vector<16xi32>,
      %add3A_72 = arith.constant 0 : i32
      %add3A_73 = arith.addi %add3A_72, %multiple_of3A : i32
      %get3A_74 = arith.index_cast %add3A_73 : i32 to index
      %get3A_75 = tpu.vector_load %arg12[%get3A_74] {strides = array<i32>} : memref<512xi32, #tpu.memory_space<vmem>>, vector<16xi32>,
      %add3A_76 = arith.constant 0 : i32
      %add3A_77 = arith.addi %multiple_of3A, %add3A_76 : i32
      %slice3A = vector.extract_strided_slice %get3A_71 {offsets = [0], sizes = [1], strides = [1]} : vector<16xi32> to vector<1xi32>
      %squeeze3A = vector.extract %slice3A[0] : i32 from vector<1xi32>
      %and3A = arith.constant 3 : i32
      %and3A_78 = arith.andi %squeeze3A, %and3A : i32
      %mul3A_79 = arith.constant 32 : i32
      %mul3A_80 = arith.muli %and3A_78, %mul3A_79 : i32
      %slice3A_81 = vector.extract_strided_slice %get3A_75 {offsets = [0], sizes = [1], strides = [1]} : vector<16xi32> to vector<1xi32>
      %squeeze3A_82 = vector.extract %slice3A_81[0] : i32 from vector<1xi32>
      %and3A_83 = arith.constant 3 : i32
      %and3A_84 = arith.andi %squeeze3A_82, %and3A_83 : i32
      %mul3A_85 = arith.constant 32 : i32
      %mul3A_86 = arith.muli %and3A_84, %mul3A_85 : i32
      %get3A_87 = arith.index_cast %add3A_77 : i32 to index
      %get3A_88 = arith.index_cast %mul3A_80 : i32 to index
      %get3A_89 = tpu.vector_load %arg15[%get3A_87, %get3A_88] {strides = array<i32>} : memref<256x128xf32, #tpu.memory_space<vmem>>, vector<16xf32>,
      %add3A_90 = arith.constant 16 : i32
      %add3A_91 = arith.addi %mul3A_80, %add3A_90 : i32
      %get3A_92 = arith.index_cast %add3A_77 : i32 to index
      %get3A_93 = arith.index_cast %add3A_91 : i32 to index
      %get3A_94 = tpu.vector_load %arg15[%get3A_92, %get3A_93] {strides = array<i32>} : memref<256x128xf32, #tpu.memory_space<vmem>>, vector<16xf32>,
      %get3A_95 = arith.index_cast %add3A_77 : i32 to index
      %get3A_96 = arith.index_cast %mul3A_86 : i32 to index
      %get3A_97 = tpu.vector_load %arg16[%get3A_95, %get3A_96] {strides = array<i32>} : memref<256x128xf32, #tpu.memory_space<vmem>>, vector<16xf32>,
      %add3A_98 = arith.constant 16 : i32
      %add3A_99 = arith.addi %mul3A_86, %add3A_98 : i32
      %get3A_100 = arith.index_cast %add3A_77 : i32 to index
      %get3A_101 = arith.index_cast %add3A_99 : i32 to index
      %get3A_102 = tpu.vector_load %arg16[%get3A_100, %get3A_101] {strides = array<i32>} : memref<256x128xf32, #tpu.memory_space<vmem>>, vector<16xf32>,
      %add3A_103 = arith.constant 0 : i32
      %add3A_104 = vector.broadcast %add3A_103 : i32 to vector<16xi32>
      %add3A_105 = arith.addi %get3A_6, %add3A_104 : vector<16xi32>
      %mul3A_106 = arith.mulf %get3A_89, %get3A_97 : vector<16xf32>
      %mul3A_107 = arith.mulf %get3A_94, %get3A_102 : vector<16xf32>
      %add3A_108 = arith.addf %mul3A_106, %mul3A_107 : vector<16xf32>
      tpu.vector_store_idx %arg22[%add3A_105], %add3A_108 : memref<256xf32, #tpu.memory_space<vmem>>[vector<16xi32>], vector<16xf32>,
      %add3A_109 = arith.constant 1 : i32
      %add3A_110 = arith.addi %multiple_of3A, %add3A_109 : i32
      %slice3A_111 = vector.extract_strided_slice %get3A_71 {offsets = [1], sizes = [1], strides = [1]} : vector<16xi32> to vector<1xi32>
      %squeeze3A_112 = vector.extract %slice3A_111[0] : i32 from vector<1xi32>
      %and3A_113 = arith.constant 3 : i32
      %and3A_114 = arith.andi %squeeze3A_112, %and3A_113 : i32
      %mul3A_115 = arith.constant 32 : i32
      %mul3A_116 = arith.muli %and3A_114, %mul3A_115 : i32
      %slice3A_117 = vector.extract_strided_slice %get3A_75 {offsets = [1], sizes = [1], strides = [1]} : vector<16xi32> to vector<1xi32>
      %squeeze3A_118 = vector.extract %slice3A_117[0] : i32 from vector<1xi32>
      %and3A_119 = arith.constant 3 : i32
      %and3A_120 = arith.andi %squeeze3A_118, %and3A_119 : i32
      %mul3A_121 = arith.constant 32 : i32
      %mul3A_122 = arith.muli %and3A_120, %mul3A_121 : i32
      %get3A_123 = arith.index_cast %add3A_110 : i32 to index
      %get3A_124 = arith.index_cast %mul3A_116 : i32 to index
      %get3A_125 = tpu.vector_load %arg15[%get3A_123, %get3A_124] {strides = array<i32>} : memref<256x128xf32, #tpu.memory_space<vmem>>, vector<16xf32>,
      %add3A_126 = arith.constant 16 : i32
      %add3A_127 = arith.addi %mul3A_116, %add3A_126 : i32
      %get3A_128 = arith.index_cast %add3A_110 : i32 to index
      %get3A_129 = arith.index_cast %add3A_127 : i32 to index
      %get3A_130 = tpu.vector_load %arg15[%get3A_128, %get3A_129] {strides = array<i32>} : memref<256x128xf32, #tpu.memory_space<vmem>>, vector<16xf32>,
      %get3A_131 = arith.index_cast %add3A_110 : i32 to index
      %get3A_132 = arith.index_cast %mul3A_122 : i32 to index
      %get3A_133 = tpu.vector_load %arg16[%get3A_131, %get3A_132] {strides = array<i32>} : memref<256x128xf32, #tpu.memory_space<vmem>>, vector<16xf32>,
      %add3A_134 = arith.constant 16 : i32
      %add3A_135 = arith.addi %mul3A_122, %add3A_134 : i32
      %get3A_136 = arith.index_cast %add3A_110 : i32 to index
      %get3A_137 = arith.index_cast %add3A_135 : i32 to index
      %get3A_138 = tpu.vector_load %arg16[%get3A_136, %get3A_137] {strides = array<i32>} : memref<256x128xf32, #tpu.memory_space<vmem>>, vector<16xf32>,
      %add3A_139 = arith.constant 1 : i32
      %add3A_140 = vector.broadcast %add3A_139 : i32 to vector<16xi32>
      %add3A_141 = arith.addi %get3A_6, %add3A_140 : vector<16xi32>
      %mul3A_142 = arith.mulf %get3A_125, %get3A_133 : vector<16xf32>
      %mul3A_143 = arith.mulf %get3A_130, %get3A_138 : vector<16xf32>
      %add3A_144 = arith.addf %mul3A_142, %mul3A_143 : vector<16xf32>
      tpu.vector_store_idx %arg22[%add3A_141], %add3A_144 : memref<256xf32, #tpu.memory_space<vmem>>[vector<16xi32>], vector<16xf32>,
      %add3A_145 = arith.constant 2 : i32
      %add3A_146 = arith.addi %multiple_of3A, %add3A_145 : i32
      %slice3A_147 = vector.extract_strided_slice %get3A_71 {offsets = [2], sizes = [1], strides = [1]} : vector<16xi32> to vector<1xi32>
      %squeeze3A_148 = vector.extract %slice3A_147[0] : i32 from vector<1xi32>
      %and3A_149 = arith.constant 3 : i32
      %and3A_150 = arith.andi %squeeze3A_148, %and3A_149 : i32
      %mul3A_151 = arith.constant 32 : i32
      %mul3A_152 = arith.muli %and3A_150, %mul3A_151 : i32
      %slice3A_153 = vector.extract_strided_slice %get3A_75 {offsets = [2], sizes = [1], strides = [1]} : vector<16xi32> to vector<1xi32>
      %squeeze3A_154 = vector.extract %slice3A_153[0] : i32 from vector<1xi32>
      %and3A_155 = arith.constant 3 : i32
      %and3A_156 = arith.andi %squeeze3A_154, %and3A_155 : i32
      %mul3A_157 = arith.constant 32 : i32
      %mul3A_158 = arith.muli %and3A_156, %mul3A_157 : i32
      %get3A_159 = arith.index_cast %add3A_146 : i32 to index
      %get3A_160 = arith.index_cast %mul3A_152 : i32 to index
      %get3A_161 = tpu.vector_load %arg15[%get3A_159, %get3A_160] {strides = array<i32>} : memref<256x128xf32, #tpu.memory_space<vmem>>, vector<16xf32>,
      %add3A_162 = arith.constant 16 : i32
      %add3A_163 = arith.addi %mul3A_152, %add3A_162 : i32
      %get3A_164 = arith.index_cast %add3A_146 : i32 to index
      %get3A_165 = arith.index_cast %add3A_163 : i32 to index
      %get3A_166 = tpu.vector_load %arg15[%get3A_164, %get3A_165] {strides = array<i32>} : memref<256x128xf32, #tpu.memory_space<vmem>>, vector<16xf32>,
      %get3A_167 = arith.index_cast %add3A_146 : i32 to index
      %get3A_168 = arith.index_cast %mul3A_158 : i32 to index
      %get3A_169 = tpu.vector_load %arg16[%get3A_167, %get3A_168] {strides = array<i32>} : memref<256x128xf32, #tpu.memory_space<vmem>>, vector<16xf32>,
      %add3A_170 = arith.constant 16 : i32
      %add3A_171 = arith.addi %mul3A_158, %add3A_170 : i32
      %get3A_172 = arith.index_cast %add3A_146 : i32 to index
      %get3A_173 = arith.index_cast %add3A_171 : i32 to index
      %get3A_174 = tpu.vector_load %arg16[%get3A_172, %get3A_173] {strides = array<i32>} : memref<256x128xf32, #tpu.memory_space<vmem>>, vector<16xf32>,
      %add3A_175 = arith.constant 2 : i32
      %add3A_176 = vector.broadcast %add3A_175 : i32 to vector<16xi32>
      %add3A_177 = arith.addi %get3A_6, %add3A_176 : vector<16xi32>
      %mul3A_178 = arith.mulf %get3A_161, %get3A_169 : vector<16xf32>
      %mul3A_179 = arith.mulf %get3A_166, %get3A_174 : vector<16xf32>
      %add3A_180 = arith.addf %mul3A_178, %mul3A_179 : vector<16xf32>
      tpu.vector_store_idx %arg22[%add3A_177], %add3A_180 : memref<256xf32, #tpu.memory_space<vmem>>[vector<16xi32>], vector<16xf32>,
      %add3A_181 = arith.constant 3 : i32
      %add3A_182 = arith.addi %multiple_of3A, %add3A_181 : i32
      %slice3A_183 = vector.extract_strided_slice %get3A_71 {offsets = [3], sizes = [1], strides = [1]} : vector<16xi32> to vector<1xi32>
      %squeeze3A_184 = vector.extract %slice3A_183[0] : i32 from vector<1xi32>
      %and3A_185 = arith.constant 3 : i32
      %and3A_186 = arith.andi %squeeze3A_184, %and3A_185 : i32
      %mul3A_187 = arith.constant 32 : i32
      %mul3A_188 = arith.muli %and3A_186, %mul3A_187 : i32
      %slice3A_189 = vector.extract_strided_slice %get3A_75 {offsets = [3], sizes = [1], strides = [1]} : vector<16xi32> to vector<1xi32>
      %squeeze3A_190 = vector.extract %slice3A_189[0] : i32 from vector<1xi32>
      %and3A_191 = arith.constant 3 : i32
      %and3A_192 = arith.andi %squeeze3A_190, %and3A_191 : i32
      %mul3A_193 = arith.constant 32 : i32
      %mul3A_194 = arith.muli %and3A_192, %mul3A_193 : i32
      %get3A_195 = arith.index_cast %add3A_182 : i32 to index
      %get3A_196 = arith.index_cast %mul3A_188 : i32 to index
      %get3A_197 = tpu.vector_load %arg15[%get3A_195, %get3A_196] {strides = array<i32>} : memref<256x128xf32, #tpu.memory_space<vmem>>, vector<16xf32>,
      %add3A_198 = arith.constant 16 : i32
      %add3A_199 = arith.addi %mul3A_188, %add3A_198 : i32
      %get3A_200 = arith.index_cast %add3A_182 : i32 to index
      %get3A_201 = arith.index_cast %add3A_199 : i32 to index
      %get3A_202 = tpu.vector_load %arg15[%get3A_200, %get3A_201] {strides = array<i32>} : memref<256x128xf32, #tpu.memory_space<vmem>>, vector<16xf32>,
      %get3A_203 = arith.index_cast %add3A_182 : i32 to index
      %get3A_204 = arith.index_cast %mul3A_194 : i32 to index
      %get3A_205 = tpu.vector_load %arg16[%get3A_203, %get3A_204] {strides = array<i32>} : memref<256x128xf32, #tpu.memory_space<vmem>>, vector<16xf32>,
      %add3A_206 = arith.constant 16 : i32
      %add3A_207 = arith.addi %mul3A_194, %add3A_206 : i32
      %get3A_208 = arith.index_cast %add3A_182 : i32 to index
      %get3A_209 = arith.index_cast %add3A_207 : i32 to index
      %get3A_210 = tpu.vector_load %arg16[%get3A_208, %get3A_209] {strides = array<i32>} : memref<256x128xf32, #tpu.memory_space<vmem>>, vector<16xf32>,
      %add3A_211 = arith.constant 3 : i32
      %add3A_212 = vector.broadcast %add3A_211 : i32 to vector<16xi32>
      %add3A_213 = arith.addi %get3A_6, %add3A_212 : vector<16xi32>
      %mul3A_214 = arith.mulf %get3A_197, %get3A_205 : vector<16xf32>
      %mul3A_215 = arith.mulf %get3A_202, %get3A_210 : vector<16xf32>
      %add3A_216 = arith.addf %mul3A_214, %mul3A_215 : vector<16xf32>
      tpu.vector_store_idx %arg22[%add3A_213], %add3A_216 : memref<256xf32, #tpu.memory_space<vmem>>[vector<16xi32>], vector<16xf32>,
      %add3A_217 = arith.constant 4 : i32
      %add3A_218 = arith.addi %multiple_of3A, %add3A_217 : i32
      %slice3A_219 = vector.extract_strided_slice %get3A_71 {offsets = [4], sizes = [1], strides = [1]} : vector<16xi32> to vector<1xi32>
      %squeeze3A_220 = vector.extract %slice3A_219[0] : i32 from vector<1xi32>
      %and3A_221 = arith.constant 3 : i32
      %and3A_222 = arith.andi %squeeze3A_220, %and3A_221 : i32
      %mul3A_223 = arith.constant 32 : i32
      %mul3A_224 = arith.muli %and3A_222, %mul3A_223 : i32
      %slice3A_225 = vector.extract_strided_slice %get3A_75 {offsets = [4], sizes = [1], strides = [1]} : vector<16xi32> to vector<1xi32>
      %squeeze3A_226 = vector.extract %slice3A_225[0] : i32 from vector<1xi32>
      %and3A_227 = arith.constant 3 : i32
      %and3A_228 = arith.andi %squeeze3A_226, %and3A_227 : i32
      %mul3A_229 = arith.constant 32 : i32
      %mul3A_230 = arith.muli %and3A_228, %mul3A_229 : i32
      %get3A_231 = arith.index_cast %add3A_218 : i32 to index
      %get3A_232 = arith.index_cast %mul3A_224 : i32 to index
      %get3A_233 = tpu.vector_load %arg15[%get3A_231, %get3A_232] {strides = array<i32>} : memref<256x128xf32, #tpu.memory_space<vmem>>, vector<16xf32>,
      %add3A_234 = arith.constant 16 : i32
      %add3A_235 = arith.addi %mul3A_224, %add3A_234 : i32
      %get3A_236 = arith.index_cast %add3A_218 : i32 to index
      %get3A_237 = arith.index_cast %add3A_235 : i32 to index
      %get3A_238 = tpu.vector_load %arg15[%get3A_236, %get3A_237] {strides = array<i32>} : memref<256x128xf32, #tpu.memory_space<vmem>>, vector<16xf32>,
      %get3A_239 = arith.index_cast %add3A_218 : i32 to index
      %get3A_240 = arith.index_cast %mul3A_230 : i32 to index
      %get3A_241 = tpu.vector_load %arg16[%get3A_239, %get3A_240] {strides = array<i32>} : memref<256x128xf32, #tpu.memory_space<vmem>>, vector<16xf32>,
      %add3A_242 = arith.constant 16 : i32
      %add3A_243 = arith.addi %mul3A_230, %add3A_242 : i32
      %get3A_244 = arith.index_cast %add3A_218 : i32 to index
      %get3A_245 = arith.index_cast %add3A_243 : i32 to index
      %get3A_246 = tpu.vector_load %arg16[%get3A_244, %get3A_245] {strides = array<i32>} : memref<256x128xf32, #tpu.memory_space<vmem>>, vector<16xf32>,
      %add3A_247 = arith.constant 4 : i32
      %add3A_248 = vector.broadcast %add3A_247 : i32 to vector<16xi32>
      %add3A_249 = arith.addi %get3A_6, %add3A_248 : vector<16xi32>
      %mul3A_250 = arith.mulf %get3A_233, %get3A_241 : vector<16xf32>
      %mul3A_251 = arith.mulf %get3A_238, %get3A_246 : vector<16xf32>
      %add3A_252 = arith.addf %mul3A_250, %mul3A_251 : vector<16xf32>
      tpu.vector_store_idx %arg22[%add3A_249], %add3A_252 : memref<256xf32, #tpu.memory_space<vmem>>[vector<16xi32>], vector<16xf32>,
      %add3A_253 = arith.constant 5 : i32
      %add3A_254 = arith.addi %multiple_of3A, %add3A_253 : i32
      %slice3A_255 = vector.extract_strided_slice %get3A_71 {offsets = [5], sizes = [1], strides = [1]} : vector<16xi32> to vector<1xi32>
      %squeeze3A_256 = vector.extract %slice3A_255[0] : i32 from vector<1xi32>
      %and3A_257 = arith.constant 3 : i32
      %and3A_258 = arith.andi %squeeze3A_256, %and3A_257 : i32
      %mul3A_259 = arith.constant 32 : i32
      %mul3A_260 = arith.muli %and3A_258, %mul3A_259 : i32
      %slice3A_261 = vector.extract_strided_slice %get3A_75 {offsets = [5], sizes = [1], strides = [1]} : vector<16xi32> to vector<1xi32>
      %squeeze3A_262 = vector.extract %slice3A_261[0] : i32 from vector<1xi32>
      %and3A_263 = arith.constant 3 : i32
      %and3A_264 = arith.andi %squeeze3A_262, %and3A_263 : i32
      %mul3A_265 = arith.constant 32 : i32
      %mul3A_266 = arith.muli %and3A_264, %mul3A_265 : i32
      %get3A_267 = arith.index_cast %add3A_254 : i32 to index
      %get3A_268 = arith.index_cast %mul3A_260 : i32 to index
      %get3A_269 = tpu.vector_load %arg15[%get3A_267, %get3A_268] {strides = array<i32>} : memref<256x128xf32, #tpu.memory_space<vmem>>, vector<16xf32>,
      %add3A_270 = arith.constant 16 : i32
      %add3A_271 = arith.addi %mul3A_260, %add3A_270 : i32
      %get3A_272 = arith.index_cast %add3A_254 : i32 to index
      %get3A_273 = arith.index_cast %add3A_271 : i32 to index
      %get3A_274 = tpu.vector_load %arg15[%get3A_272, %get3A_273] {strides = array<i32>} : memref<256x128xf32, #tpu.memory_space<vmem>>, vector<16xf32>,
      %get3A_275 = arith.index_cast %add3A_254 : i32 to index
      %get3A_276 = arith.index_cast %mul3A_266 : i32 to index
      %get3A_277 = tpu.vector_load %arg16[%get3A_275, %get3A_276] {strides = array<i32>} : memref<256x128xf32, #tpu.memory_space<vmem>>, vector<16xf32>,
      %add3A_278 = arith.constant 16 : i32
      %add3A_279 = arith.addi %mul3A_266, %add3A_278 : i32
      %get3A_280 = arith.index_cast %add3A_254 : i32 to index
      %get3A_281 = arith.index_cast %add3A_279 : i32 to index
      %get3A_282 = tpu.vector_load %arg16[%get3A_280, %get3A_281] {strides = array<i32>} : memref<256x128xf32, #tpu.memory_space<vmem>>, vector<16xf32>,
      %add3A_283 = arith.constant 5 : i32
      %add3A_284 = vector.broadcast %add3A_283 : i32 to vector<16xi32>
      %add3A_285 = arith.addi %get3A_6, %add3A_284 : vector<16xi32>
      %mul3A_286 = arith.mulf %get3A_269, %get3A_277 : vector<16xf32>
      %mul3A_287 = arith.mulf %get3A_274, %get3A_282 : vector<16xf32>
      %add3A_288 = arith.addf %mul3A_286, %mul3A_287 : vector<16xf32>
      tpu.vector_store_idx %arg22[%add3A_285], %add3A_288 : memref<256xf32, #tpu.memory_space<vmem>>[vector<16xi32>], vector<16xf32>,
      %add3A_289 = arith.constant 6 : i32
      %add3A_290 = arith.addi %multiple_of3A, %add3A_289 : i32
      %slice3A_291 = vector.extract_strided_slice %get3A_71 {offsets = [6], sizes = [1], strides = [1]} : vector<16xi32> to vector<1xi32>
      %squeeze3A_292 = vector.extract %slice3A_291[0] : i32 from vector<1xi32>
      %and3A_293 = arith.constant 3 : i32
      %and3A_294 = arith.andi %squeeze3A_292, %and3A_293 : i32
      %mul3A_295 = arith.constant 32 : i32
      %mul3A_296 = arith.muli %and3A_294, %mul3A_295 : i32
      %slice3A_297 = vector.extract_strided_slice %get3A_75 {offsets = [6], sizes = [1], strides = [1]} : vector<16xi32> to vector<1xi32>
      %squeeze3A_298 = vector.extract %slice3A_297[0] : i32 from vector<1xi32>
      %and3A_299 = arith.constant 3 : i32
      %and3A_300 = arith.andi %squeeze3A_298, %and3A_299 : i32
      %mul3A_301 = arith.constant 32 : i32
      %mul3A_302 = arith.muli %and3A_300, %mul3A_301 : i32
      %get3A_303 = arith.index_cast %add3A_290 : i32 to index
      %get3A_304 = arith.index_cast %mul3A_296 : i32 to index
      %get3A_305 = tpu.vector_load %arg15[%get3A_303, %get3A_304] {strides = array<i32>} : memref<256x128xf32, #tpu.memory_space<vmem>>, vector<16xf32>,
      %add3A_306 = arith.constant 16 : i32
      %add3A_307 = arith.addi %mul3A_296, %add3A_306 : i32
      %get3A_308 = arith.index_cast %add3A_290 : i32 to index
      %get3A_309 = arith.index_cast %add3A_307 : i32 to index
      %get3A_310 = tpu.vector_load %arg15[%get3A_308, %get3A_309] {strides = array<i32>} : memref<256x128xf32, #tpu.memory_space<vmem>>, vector<16xf32>,
      %get3A_311 = arith.index_cast %add3A_290 : i32 to index
      %get3A_312 = arith.index_cast %mul3A_302 : i32 to index
      %get3A_313 = tpu.vector_load %arg16[%get3A_311, %get3A_312] {strides = array<i32>} : memref<256x128xf32, #tpu.memory_space<vmem>>, vector<16xf32>,
      %add3A_314 = arith.constant 16 : i32
      %add3A_315 = arith.addi %mul3A_302, %add3A_314 : i32
      %get3A_316 = arith.index_cast %add3A_290 : i32 to index
      %get3A_317 = arith.index_cast %add3A_315 : i32 to index
      %get3A_318 = tpu.vector_load %arg16[%get3A_316, %get3A_317] {strides = array<i32>} : memref<256x128xf32, #tpu.memory_space<vmem>>, vector<16xf32>,
      %add3A_319 = arith.constant 6 : i32
      %add3A_320 = vector.broadcast %add3A_319 : i32 to vector<16xi32>
      %add3A_321 = arith.addi %get3A_6, %add3A_320 : vector<16xi32>
      %mul3A_322 = arith.mulf %get3A_305, %get3A_313 : vector<16xf32>
      %mul3A_323 = arith.mulf %get3A_310, %get3A_318 : vector<16xf32>
      %add3A_324 = arith.addf %mul3A_322, %mul3A_323 : vector<16xf32>
      tpu.vector_store_idx %arg22[%add3A_321], %add3A_324 : memref<256xf32, #tpu.memory_space<vmem>>[vector<16xi32>], vector<16xf32>,
      %add3A_325 = arith.constant 7 : i32
      %add3A_326 = arith.addi %multiple_of3A, %add3A_325 : i32
      %slice3A_327 = vector.extract_strided_slice %get3A_71 {offsets = [7], sizes = [1], strides = [1]} : vector<16xi32> to vector<1xi32>
      %squeeze3A_328 = vector.extract %slice3A_327[0] : i32 from vector<1xi32>
      %and3A_329 = arith.constant 3 : i32
      %and3A_330 = arith.andi %squeeze3A_328, %and3A_329 : i32
      %mul3A_331 = arith.constant 32 : i32
      %mul3A_332 = arith.muli %and3A_330, %mul3A_331 : i32
      %slice3A_333 = vector.extract_strided_slice %get3A_75 {offsets = [7], sizes = [1], strides = [1]} : vector<16xi32> to vector<1xi32>
      %squeeze3A_334 = vector.extract %slice3A_333[0] : i32 from vector<1xi32>
      %and3A_335 = arith.constant 3 : i32
      %and3A_336 = arith.andi %squeeze3A_334, %and3A_335 : i32
      %mul3A_337 = arith.constant 32 : i32
      %mul3A_338 = arith.muli %and3A_336, %mul3A_337 : i32
      %get3A_339 = arith.index_cast %add3A_326 : i32 to index
      %get3A_340 = arith.index_cast %mul3A_332 : i32 to index
      %get3A_341 = tpu.vector_load %arg15[%get3A_339, %get3A_340] {strides = array<i32>} : memref<256x128xf32, #tpu.memory_space<vmem>>, vector<16xf32>,
      %add3A_342 = arith.constant 16 : i32
      %add3A_343 = arith.addi %mul3A_332, %add3A_342 : i32
      %get3A_344 = arith.index_cast %add3A_326 : i32 to index
      %get3A_345 = arith.index_cast %add3A_343 : i32 to index
      %get3A_346 = tpu.vector_load %arg15[%get3A_344, %get3A_345] {strides = array<i32>} : memref<256x128xf32, #tpu.memory_space<vmem>>, vector<16xf32>,
      %get3A_347 = arith.index_cast %add3A_326 : i32 to index
      %get3A_348 = arith.index_cast %mul3A_338 : i32 to index
      %get3A_349 = tpu.vector_load %arg16[%get3A_347, %get3A_348] {strides = array<i32>} : memref<256x128xf32, #tpu.memory_space<vmem>>, vector<16xf32>,
      %add3A_350 = arith.constant 16 : i32
      %add3A_351 = arith.addi %mul3A_338, %add3A_350 : i32
      %get3A_352 = arith.index_cast %add3A_326 : i32 to index
      %get3A_353 = arith.index_cast %add3A_351 : i32 to index
      %get3A_354 = tpu.vector_load %arg16[%get3A_352, %get3A_353] {strides = array<i32>} : memref<256x128xf32, #tpu.memory_space<vmem>>, vector<16xf32>,
      %add3A_355 = arith.constant 7 : i32
      %add3A_356 = vector.broadcast %add3A_355 : i32 to vector<16xi32>
      %add3A_357 = arith.addi %get3A_6, %add3A_356 : vector<16xi32>
      %mul3A_358 = arith.mulf %get3A_341, %get3A_349 : vector<16xf32>
      %mul3A_359 = arith.mulf %get3A_346, %get3A_354 : vector<16xf32>
      %add3A_360 = arith.addf %mul3A_358, %mul3A_359 : vector<16xf32>
      tpu.vector_store_idx %arg22[%add3A_357], %add3A_360 : memref<256xf32, #tpu.memory_space<vmem>>[vector<16xi32>], vector<16xf32>,
      %add3A_361 = arith.constant 8 : i32
      %add3A_362 = arith.addi %multiple_of3A, %add3A_361 : i32
      %slice3A_363 = vector.extract_strided_slice %get3A_71 {offsets = [8], sizes = [1], strides = [1]} : vector<16xi32> to vector<1xi32>
      %squeeze3A_364 = vector.extract %slice3A_363[0] : i32 from vector<1xi32>
      %and3A_365 = arith.constant 3 : i32
      %and3A_366 = arith.andi %squeeze3A_364, %and3A_365 : i32
      %mul3A_367 = arith.constant 32 : i32
      %mul3A_368 = arith.muli %and3A_366, %mul3A_367 : i32
      %slice3A_369 = vector.extract_strided_slice %get3A_75 {offsets = [8], sizes = [1], strides = [1]} : vector<16xi32> to vector<1xi32>
      %squeeze3A_370 = vector.extract %slice3A_369[0] : i32 from vector<1xi32>
      %and3A_371 = arith.constant 3 : i32
      %and3A_372 = arith.andi %squeeze3A_370, %and3A_371 : i32
      %mul3A_373 = arith.constant 32 : i32
      %mul3A_374 = arith.muli %and3A_372, %mul3A_373 : i32
      %get3A_375 = arith.index_cast %add3A_362 : i32 to index
      %get3A_376 = arith.index_cast %mul3A_368 : i32 to index
      %get3A_377 = tpu.vector_load %arg15[%get3A_375, %get3A_376] {strides = array<i32>} : memref<256x128xf32, #tpu.memory_space<vmem>>, vector<16xf32>,
      %add3A_378 = arith.constant 16 : i32
      %add3A_379 = arith.addi %mul3A_368, %add3A_378 : i32
      %get3A_380 = arith.index_cast %add3A_362 : i32 to index
      %get3A_381 = arith.index_cast %add3A_379 : i32 to index
      %get3A_382 = tpu.vector_load %arg15[%get3A_380, %get3A_381] {strides = array<i32>} : memref<256x128xf32, #tpu.memory_space<vmem>>, vector<16xf32>,
      %get3A_383 = arith.index_cast %add3A_362 : i32 to index
      %get3A_384 = arith.index_cast %mul3A_374 : i32 to index
      %get3A_385 = tpu.vector_load %arg16[%get3A_383, %get3A_384] {strides = array<i32>} : memref<256x128xf32, #tpu.memory_space<vmem>>, vector<16xf32>,
      %add3A_386 = arith.constant 16 : i32
      %add3A_387 = arith.addi %mul3A_374, %add3A_386 : i32
      %get3A_388 = arith.index_cast %add3A_362 : i32 to index
      %get3A_389 = arith.index_cast %add3A_387 : i32 to index
      %get3A_390 = tpu.vector_load %arg16[%get3A_388, %get3A_389] {strides = array<i32>} : memref<256x128xf32, #tpu.memory_space<vmem>>, vector<16xf32>,
      %add3A_391 = arith.constant 8 : i32
      %add3A_392 = vector.broadcast %add3A_391 : i32 to vector<16xi32>
      %add3A_393 = arith.addi %get3A_6, %add3A_392 : vector<16xi32>
      %mul3A_394 = arith.mulf %get3A_377, %get3A_385 : vector<16xf32>
      %mul3A_395 = arith.mulf %get3A_382, %get3A_390 : vector<16xf32>
      %add3A_396 = arith.addf %mul3A_394, %mul3A_395 : vector<16xf32>
      tpu.vector_store_idx %arg22[%add3A_393], %add3A_396 : memref<256xf32, #tpu.memory_space<vmem>>[vector<16xi32>], vector<16xf32>,
      %add3A_397 = arith.constant 9 : i32
      %add3A_398 = arith.addi %multiple_of3A, %add3A_397 : i32
      %slice3A_399 = vector.extract_strided_slice %get3A_71 {offsets = [9], sizes = [1], strides = [1]} : vector<16xi32> to vector<1xi32>
      %squeeze3A_400 = vector.extract %slice3A_399[0] : i32 from vector<1xi32>
      %and3A_401 = arith.constant 3 : i32
      %and3A_402 = arith.andi %squeeze3A_400, %and3A_401 : i32
      %mul3A_403 = arith.constant 32 : i32
      %mul3A_404 = arith.muli %and3A_402, %mul3A_403 : i32
      %slice3A_405 = vector.extract_strided_slice %get3A_75 {offsets = [9], sizes = [1], strides = [1]} : vector<16xi32> to vector<1xi32>
      %squeeze3A_406 = vector.extract %slice3A_405[0] : i32 from vector<1xi32>
      %and3A_407 = arith.constant 3 : i32
      %and3A_408 = arith.andi %squeeze3A_406, %and3A_407 : i32
      %mul3A_409 = arith.constant 32 : i32
      %mul3A_410 = arith.muli %and3A_408, %mul3A_409 : i32
      %get3A_411 = arith.index_cast %add3A_398 : i32 to index
      %get3A_412 = arith.index_cast %mul3A_404 : i32 to index
      %get3A_413 = tpu.vector_load %arg15[%get3A_411, %get3A_412] {strides = array<i32>} : memref<256x128xf32, #tpu.memory_space<vmem>>, vector<16xf32>,
      %add3A_414 = arith.constant 16 : i32
      %add3A_415 = arith.addi %mul3A_404, %add3A_414 : i32
      %get3A_416 = arith.index_cast %add3A_398 : i32 to index
      %get3A_417 = arith.index_cast %add3A_415 : i32 to index
      %get3A_418 = tpu.vector_load %arg15[%get3A_416, %get3A_417] {strides = array<i32>} : memref<256x128xf32, #tpu.memory_space<vmem>>, vector<16xf32>,
      %get3A_419 = arith.index_cast %add3A_398 : i32 to index
      %get3A_420 = arith.index_cast %mul3A_410 : i32 to index
      %get3A_421 = tpu.vector_load %arg16[%get3A_419, %get3A_420] {strides = array<i32>} : memref<256x128xf32, #tpu.memory_space<vmem>>, vector<16xf32>,
      %add3A_422 = arith.constant 16 : i32
      %add3A_423 = arith.addi %mul3A_410, %add3A_422 : i32
      %get3A_424 = arith.index_cast %add3A_398 : i32 to index
      %get3A_425 = arith.index_cast %add3A_423 : i32 to index
      %get3A_426 = tpu.vector_load %arg16[%get3A_424, %get3A_425] {strides = array<i32>} : memref<256x128xf32, #tpu.memory_space<vmem>>, vector<16xf32>,
      %add3A_427 = arith.constant 9 : i32
      %add3A_428 = vector.broadcast %add3A_427 : i32 to vector<16xi32>
      %add3A_429 = arith.addi %get3A_6, %add3A_428 : vector<16xi32>
      %mul3A_430 = arith.mulf %get3A_413, %get3A_421 : vector<16xf32>
      %mul3A_431 = arith.mulf %get3A_418, %get3A_426 : vector<16xf32>
      %add3A_432 = arith.addf %mul3A_430, %mul3A_431 : vector<16xf32>
      tpu.vector_store_idx %arg22[%add3A_429], %add3A_432 : memref<256xf32, #tpu.memory_space<vmem>>[vector<16xi32>], vector<16xf32>,
      %add3A_433 = arith.constant 10 : i32
      %add3A_434 = arith.addi %multiple_of3A, %add3A_433 : i32
      %slice3A_435 = vector.extract_strided_slice %get3A_71 {offsets = [10], sizes = [1], strides = [1]} : vector<16xi32> to vector<1xi32>
      %squeeze3A_436 = vector.extract %slice3A_435[0] : i32 from vector<1xi32>
      %and3A_437 = arith.constant 3 : i32
      %and3A_438 = arith.andi %squeeze3A_436, %and3A_437 : i32
      %mul3A_439 = arith.constant 32 : i32
      %mul3A_440 = arith.muli %and3A_438, %mul3A_439 : i32
      %slice3A_441 = vector.extract_strided_slice %get3A_75 {offsets = [10], sizes = [1], strides = [1]} : vector<16xi32> to vector<1xi32>
      %squeeze3A_442 = vector.extract %slice3A_441[0] : i32 from vector<1xi32>
      %and3A_443 = arith.constant 3 : i32
      %and3A_444 = arith.andi %squeeze3A_442, %and3A_443 : i32
      %mul3A_445 = arith.constant 32 : i32
      %mul3A_446 = arith.muli %and3A_444, %mul3A_445 : i32
      %get3A_447 = arith.index_cast %add3A_434 : i32 to index
      %get3A_448 = arith.index_cast %mul3A_440 : i32 to index
      %get3A_449 = tpu.vector_load %arg15[%get3A_447, %get3A_448] {strides = array<i32>} : memref<256x128xf32, #tpu.memory_space<vmem>>, vector<16xf32>,
      %add3A_450 = arith.constant 16 : i32
      %add3A_451 = arith.addi %mul3A_440, %add3A_450 : i32
      %get3A_452 = arith.index_cast %add3A_434 : i32 to index
      %get3A_453 = arith.index_cast %add3A_451 : i32 to index
      %get3A_454 = tpu.vector_load %arg15[%get3A_452, %get3A_453] {strides = array<i32>} : memref<256x128xf32, #tpu.memory_space<vmem>>, vector<16xf32>,
      %get3A_455 = arith.index_cast %add3A_434 : i32 to index
      %get3A_456 = arith.index_cast %mul3A_446 : i32 to index
      %get3A_457 = tpu.vector_load %arg16[%get3A_455, %get3A_456] {strides = array<i32>} : memref<256x128xf32, #tpu.memory_space<vmem>>, vector<16xf32>,
      %add3A_458 = arith.constant 16 : i32
      %add3A_459 = arith.addi %mul3A_446, %add3A_458 : i32
      %get3A_460 = arith.index_cast %add3A_434 : i32 to index
      %get3A_461 = arith.index_cast %add3A_459 : i32 to index
      %get3A_462 = tpu.vector_load %arg16[%get3A_460, %get3A_461] {strides = array<i32>} : memref<256x128xf32, #tpu.memory_space<vmem>>, vector<16xf32>,
      %add3A_463 = arith.constant 10 : i32
      %add3A_464 = vector.broadcast %add3A_463 : i32 to vector<16xi32>
      %add3A_465 = arith.addi %get3A_6, %add3A_464 : vector<16xi32>
      %mul3A_466 = arith.mulf %get3A_449, %get3A_457 : vector<16xf32>
      %mul3A_467 = arith.mulf %get3A_454, %get3A_462 : vector<16xf32>
      %add3A_468 = arith.addf %mul3A_466, %mul3A_467 : vector<16xf32>
      tpu.vector_store_idx %arg22[%add3A_465], %add3A_468 : memref<256xf32, #tpu.memory_space<vmem>>[vector<16xi32>], vector<16xf32>,
      %add3A_469 = arith.constant 11 : i32
      %add3A_470 = arith.addi %multiple_of3A, %add3A_469 : i32
      %slice3A_471 = vector.extract_strided_slice %get3A_71 {offsets = [11], sizes = [1], strides = [1]} : vector<16xi32> to vector<1xi32>
      %squeeze3A_472 = vector.extract %slice3A_471[0] : i32 from vector<1xi32>
      %and3A_473 = arith.constant 3 : i32
      %and3A_474 = arith.andi %squeeze3A_472, %and3A_473 : i32
      %mul3A_475 = arith.constant 32 : i32
      %mul3A_476 = arith.muli %and3A_474, %mul3A_475 : i32
      %slice3A_477 = vector.extract_strided_slice %get3A_75 {offsets = [11], sizes = [1], strides = [1]} : vector<16xi32> to vector<1xi32>
      %squeeze3A_478 = vector.extract %slice3A_477[0] : i32 from vector<1xi32>
      %and3A_479 = arith.constant 3 : i32
      %and3A_480 = arith.andi %squeeze3A_478, %and3A_479 : i32
      %mul3A_481 = arith.constant 32 : i32
      %mul3A_482 = arith.muli %and3A_480, %mul3A_481 : i32
      %get3A_483 = arith.index_cast %add3A_470 : i32 to index
      %get3A_484 = arith.index_cast %mul3A_476 : i32 to index
      %get3A_485 = tpu.vector_load %arg15[%get3A_483, %get3A_484] {strides = array<i32>} : memref<256x128xf32, #tpu.memory_space<vmem>>, vector<16xf32>,
      %add3A_486 = arith.constant 16 : i32
      %add3A_487 = arith.addi %mul3A_476, %add3A_486 : i32
      %get3A_488 = arith.index_cast %add3A_470 : i32 to index
      %get3A_489 = arith.index_cast %add3A_487 : i32 to index
      %get3A_490 = tpu.vector_load %arg15[%get3A_488, %get3A_489] {strides = array<i32>} : memref<256x128xf32, #tpu.memory_space<vmem>>, vector<16xf32>,
      %get3A_491 = arith.index_cast %add3A_470 : i32 to index
      %get3A_492 = arith.index_cast %mul3A_482 : i32 to index
      %get3A_493 = tpu.vector_load %arg16[%get3A_491, %get3A_492] {strides = array<i32>} : memref<256x128xf32, #tpu.memory_space<vmem>>, vector<16xf32>,
      %add3A_494 = arith.constant 16 : i32
      %add3A_495 = arith.addi %mul3A_482, %add3A_494 : i32
      %get3A_496 = arith.index_cast %add3A_470 : i32 to index
      %get3A_497 = arith.index_cast %add3A_495 : i32 to index
      %get3A_498 = tpu.vector_load %arg16[%get3A_496, %get3A_497] {strides = array<i32>} : memref<256x128xf32, #tpu.memory_space<vmem>>, vector<16xf32>,
      %add3A_499 = arith.constant 11 : i32
      %add3A_500 = vector.broadcast %add3A_499 : i32 to vector<16xi32>
      %add3A_501 = arith.addi %get3A_6, %add3A_500 : vector<16xi32>
      %mul3A_502 = arith.mulf %get3A_485, %get3A_493 : vector<16xf32>
      %mul3A_503 = arith.mulf %get3A_490, %get3A_498 : vector<16xf32>
      %add3A_504 = arith.addf %mul3A_502, %mul3A_503 : vector<16xf32>
      tpu.vector_store_idx %arg22[%add3A_501], %add3A_504 : memref<256xf32, #tpu.memory_space<vmem>>[vector<16xi32>], vector<16xf32>,
      %add3A_505 = arith.constant 12 : i32
      %add3A_506 = arith.addi %multiple_of3A, %add3A_505 : i32
      %slice3A_507 = vector.extract_strided_slice %get3A_71 {offsets = [12], sizes = [1], strides = [1]} : vector<16xi32> to vector<1xi32>
      %squeeze3A_508 = vector.extract %slice3A_507[0] : i32 from vector<1xi32>
      %and3A_509 = arith.constant 3 : i32
      %and3A_510 = arith.andi %squeeze3A_508, %and3A_509 : i32
      %mul3A_511 = arith.constant 32 : i32
      %mul3A_512 = arith.muli %and3A_510, %mul3A_511 : i32
      %slice3A_513 = vector.extract_strided_slice %get3A_75 {offsets = [12], sizes = [1], strides = [1]} : vector<16xi32> to vector<1xi32>
      %squeeze3A_514 = vector.extract %slice3A_513[0] : i32 from vector<1xi32>
      %and3A_515 = arith.constant 3 : i32
      %and3A_516 = arith.andi %squeeze3A_514, %and3A_515 : i32
      %mul3A_517 = arith.constant 32 : i32
      %mul3A_518 = arith.muli %and3A_516, %mul3A_517 : i32
      %get3A_519 = arith.index_cast %add3A_506 : i32 to index
      %get3A_520 = arith.index_cast %mul3A_512 : i32 to index
      %get3A_521 = tpu.vector_load %arg15[%get3A_519, %get3A_520] {strides = array<i32>} : memref<256x128xf32, #tpu.memory_space<vmem>>, vector<16xf32>,
      %add3A_522 = arith.constant 16 : i32
      %add3A_523 = arith.addi %mul3A_512, %add3A_522 : i32
      %get3A_524 = arith.index_cast %add3A_506 : i32 to index
      %get3A_525 = arith.index_cast %add3A_523 : i32 to index
      %get3A_526 = tpu.vector_load %arg15[%get3A_524, %get3A_525] {strides = array<i32>} : memref<256x128xf32, #tpu.memory_space<vmem>>, vector<16xf32>,
      %get3A_527 = arith.index_cast %add3A_506 : i32 to index
      %get3A_528 = arith.index_cast %mul3A_518 : i32 to index
      %get3A_529 = tpu.vector_load %arg16[%get3A_527, %get3A_528] {strides = array<i32>} : memref<256x128xf32, #tpu.memory_space<vmem>>, vector<16xf32>,
      %add3A_530 = arith.constant 16 : i32
      %add3A_531 = arith.addi %mul3A_518, %add3A_530 : i32
      %get3A_532 = arith.index_cast %add3A_506 : i32 to index
      %get3A_533 = arith.index_cast %add3A_531 : i32 to index
      %get3A_534 = tpu.vector_load %arg16[%get3A_532, %get3A_533] {strides = array<i32>} : memref<256x128xf32, #tpu.memory_space<vmem>>, vector<16xf32>,
      %add3A_535 = arith.constant 12 : i32
      %add3A_536 = vector.broadcast %add3A_535 : i32 to vector<16xi32>
      %add3A_537 = arith.addi %get3A_6, %add3A_536 : vector<16xi32>
      %mul3A_538 = arith.mulf %get3A_521, %get3A_529 : vector<16xf32>
      %mul3A_539 = arith.mulf %get3A_526, %get3A_534 : vector<16xf32>
      %add3A_540 = arith.addf %mul3A_538, %mul3A_539 : vector<16xf32>
      tpu.vector_store_idx %arg22[%add3A_537], %add3A_540 : memref<256xf32, #tpu.memory_space<vmem>>[vector<16xi32>], vector<16xf32>,
      %add3A_541 = arith.constant 13 : i32
      %add3A_542 = arith.addi %multiple_of3A, %add3A_541 : i32
      %slice3A_543 = vector.extract_strided_slice %get3A_71 {offsets = [13], sizes = [1], strides = [1]} : vector<16xi32> to vector<1xi32>
      %squeeze3A_544 = vector.extract %slice3A_543[0] : i32 from vector<1xi32>
      %and3A_545 = arith.constant 3 : i32
      %and3A_546 = arith.andi %squeeze3A_544, %and3A_545 : i32
      %mul3A_547 = arith.constant 32 : i32
      %mul3A_548 = arith.muli %and3A_546, %mul3A_547 : i32
      %slice3A_549 = vector.extract_strided_slice %get3A_75 {offsets = [13], sizes = [1], strides = [1]} : vector<16xi32> to vector<1xi32>
      %squeeze3A_550 = vector.extract %slice3A_549[0] : i32 from vector<1xi32>
      %and3A_551 = arith.constant 3 : i32
      %and3A_552 = arith.andi %squeeze3A_550, %and3A_551 : i32
      %mul3A_553 = arith.constant 32 : i32
      %mul3A_554 = arith.muli %and3A_552, %mul3A_553 : i32
      %get3A_555 = arith.index_cast %add3A_542 : i32 to index
      %get3A_556 = arith.index_cast %mul3A_548 : i32 to index
      %get3A_557 = tpu.vector_load %arg15[%get3A_555, %get3A_556] {strides = array<i32>} : memref<256x128xf32, #tpu.memory_space<vmem>>, vector<16xf32>,
      %add3A_558 = arith.constant 16 : i32
      %add3A_559 = arith.addi %mul3A_548, %add3A_558 : i32
      %get3A_560 = arith.index_cast %add3A_542 : i32 to index
      %get3A_561 = arith.index_cast %add3A_559 : i32 to index
      %get3A_562 = tpu.vector_load %arg15[%get3A_560, %get3A_561] {strides = array<i32>} : memref<256x128xf32, #tpu.memory_space<vmem>>, vector<16xf32>,
      %get3A_563 = arith.index_cast %add3A_542 : i32 to index
      %get3A_564 = arith.index_cast %mul3A_554 : i32 to index
      %get3A_565 = tpu.vector_load %arg16[%get3A_563, %get3A_564] {strides = array<i32>} : memref<256x128xf32, #tpu.memory_space<vmem>>, vector<16xf32>,
      %add3A_566 = arith.constant 16 : i32
      %add3A_567 = arith.addi %mul3A_554, %add3A_566 : i32
      %get3A_568 = arith.index_cast %add3A_542 : i32 to index
      %get3A_569 = arith.index_cast %add3A_567 : i32 to index
      %get3A_570 = tpu.vector_load %arg16[%get3A_568, %get3A_569] {strides = array<i32>} : memref<256x128xf32, #tpu.memory_space<vmem>>, vector<16xf32>,
      %add3A_571 = arith.constant 13 : i32
      %add3A_572 = vector.broadcast %add3A_571 : i32 to vector<16xi32>
      %add3A_573 = arith.addi %get3A_6, %add3A_572 : vector<16xi32>
      %mul3A_574 = arith.mulf %get3A_557, %get3A_565 : vector<16xf32>
      %mul3A_575 = arith.mulf %get3A_562, %get3A_570 : vector<16xf32>
      %add3A_576 = arith.addf %mul3A_574, %mul3A_575 : vector<16xf32>
      tpu.vector_store_idx %arg22[%add3A_573], %add3A_576 : memref<256xf32, #tpu.memory_space<vmem>>[vector<16xi32>], vector<16xf32>,
      %add3A_577 = arith.constant 14 : i32
      %add3A_578 = arith.addi %multiple_of3A, %add3A_577 : i32
      %slice3A_579 = vector.extract_strided_slice %get3A_71 {offsets = [14], sizes = [1], strides = [1]} : vector<16xi32> to vector<1xi32>
      %squeeze3A_580 = vector.extract %slice3A_579[0] : i32 from vector<1xi32>
      %and3A_581 = arith.constant 3 : i32
      %and3A_582 = arith.andi %squeeze3A_580, %and3A_581 : i32
      %mul3A_583 = arith.constant 32 : i32
      %mul3A_584 = arith.muli %and3A_582, %mul3A_583 : i32
      %slice3A_585 = vector.extract_strided_slice %get3A_75 {offsets = [14], sizes = [1], strides = [1]} : vector<16xi32> to vector<1xi32>
      %squeeze3A_586 = vector.extract %slice3A_585[0] : i32 from vector<1xi32>
      %and3A_587 = arith.constant 3 : i32
      %and3A_588 = arith.andi %squeeze3A_586, %and3A_587 : i32
      %mul3A_589 = arith.constant 32 : i32
      %mul3A_590 = arith.muli %and3A_588, %mul3A_589 : i32
      %get3A_591 = arith.index_cast %add3A_578 : i32 to index
      %get3A_592 = arith.index_cast %mul3A_584 : i32 to index
      %get3A_593 = tpu.vector_load %arg15[%get3A_591, %get3A_592] {strides = array<i32>} : memref<256x128xf32, #tpu.memory_space<vmem>>, vector<16xf32>,
      %add3A_594 = arith.constant 16 : i32
      %add3A_595 = arith.addi %mul3A_584, %add3A_594 : i32
      %get3A_596 = arith.index_cast %add3A_578 : i32 to index
      %get3A_597 = arith.index_cast %add3A_595 : i32 to index
      %get3A_598 = tpu.vector_load %arg15[%get3A_596, %get3A_597] {strides = array<i32>} : memref<256x128xf32, #tpu.memory_space<vmem>>, vector<16xf32>,
      %get3A_599 = arith.index_cast %add3A_578 : i32 to index
      %get3A_600 = arith.index_cast %mul3A_590 : i32 to index
      %get3A_601 = tpu.vector_load %arg16[%get3A_599, %get3A_600] {strides = array<i32>} : memref<256x128xf32, #tpu.memory_space<vmem>>, vector<16xf32>,
      %add3A_602 = arith.constant 16 : i32
      %add3A_603 = arith.addi %mul3A_590, %add3A_602 : i32
      %get3A_604 = arith.index_cast %add3A_578 : i32 to index
      %get3A_605 = arith.index_cast %add3A_603 : i32 to index
      %get3A_606 = tpu.vector_load %arg16[%get3A_604, %get3A_605] {strides = array<i32>} : memref<256x128xf32, #tpu.memory_space<vmem>>, vector<16xf32>,
      %add3A_607 = arith.constant 14 : i32
      %add3A_608 = vector.broadcast %add3A_607 : i32 to vector<16xi32>
      %add3A_609 = arith.addi %get3A_6, %add3A_608 : vector<16xi32>
      %mul3A_610 = arith.mulf %get3A_593, %get3A_601 : vector<16xf32>
      %mul3A_611 = arith.mulf %get3A_598, %get3A_606 : vector<16xf32>
      %add3A_612 = arith.addf %mul3A_610, %mul3A_611 : vector<16xf32>
      tpu.vector_store_idx %arg22[%add3A_609], %add3A_612 : memref<256xf32, #tpu.memory_space<vmem>>[vector<16xi32>], vector<16xf32>,
      %add3A_613 = arith.constant 15 : i32
      %add3A_614 = arith.addi %multiple_of3A, %add3A_613 : i32
      %slice3A_615 = vector.extract_strided_slice %get3A_71 {offsets = [15], sizes = [1], strides = [1]} : vector<16xi32> to vector<1xi32>
      %squeeze3A_616 = vector.extract %slice3A_615[0] : i32 from vector<1xi32>
      %and3A_617 = arith.constant 3 : i32
      %and3A_618 = arith.andi %squeeze3A_616, %and3A_617 : i32
      %mul3A_619 = arith.constant 32 : i32
      %mul3A_620 = arith.muli %and3A_618, %mul3A_619 : i32
      %slice3A_621 = vector.extract_strided_slice %get3A_75 {offsets = [15], sizes = [1], strides = [1]} : vector<16xi32> to vector<1xi32>
      %squeeze3A_622 = vector.extract %slice3A_621[0] : i32 from vector<1xi32>
      %and3A_623 = arith.constant 3 : i32
      %and3A_624 = arith.andi %squeeze3A_622, %and3A_623 : i32
      %mul3A_625 = arith.constant 32 : i32
      %mul3A_626 = arith.muli %and3A_624, %mul3A_625 : i32
      %get3A_627 = arith.index_cast %add3A_614 : i32 to index
      %get3A_628 = arith.index_cast %mul3A_620 : i32 to index
      %get3A_629 = tpu.vector_load %arg15[%get3A_627, %get3A_628] {strides = array<i32>} : memref<256x128xf32, #tpu.memory_space<vmem>>, vector<16xf32>,
      %add3A_630 = arith.constant 16 : i32
      %add3A_631 = arith.addi %mul3A_620, %add3A_630 : i32
      %get3A_632 = arith.index_cast %add3A_614 : i32 to index
      %get3A_633 = arith.index_cast %add3A_631 : i32 to index
      %get3A_634 = tpu.vector_load %arg15[%get3A_632, %get3A_633] {strides = array<i32>} : memref<256x128xf32, #tpu.memory_space<vmem>>, vector<16xf32>,
      %get3A_635 = arith.index_cast %add3A_614 : i32 to index
      %get3A_636 = arith.index_cast %mul3A_626 : i32 to index
      %get3A_637 = tpu.vector_load %arg16[%get3A_635, %get3A_636] {strides = array<i32>} : memref<256x128xf32, #tpu.memory_space<vmem>>, vector<16xf32>,
      %add3A_638 = arith.constant 16 : i32
      %add3A_639 = arith.addi %mul3A_626, %add3A_638 : i32
      %get3A_640 = arith.index_cast %add3A_614 : i32 to index
      %get3A_641 = arith.index_cast %add3A_639 : i32 to index
      %get3A_642 = tpu.vector_load %arg16[%get3A_640, %get3A_641] {strides = array<i32>} : memref<256x128xf32, #tpu.memory_space<vmem>>, vector<16xf32>,
      %add3A_643 = arith.constant 15 : i32
      %add3A_644 = vector.broadcast %add3A_643 : i32 to vector<16xi32>
      %add3A_645 = arith.addi %get3A_6, %add3A_644 : vector<16xi32>
      %mul3A_646 = arith.mulf %get3A_629, %get3A_637 : vector<16xf32>
      %mul3A_647 = arith.mulf %get3A_634, %get3A_642 : vector<16xf32>
      %add3A_648 = arith.addf %mul3A_646, %mul3A_647 : vector<16xf32>
      tpu.vector_store_idx %arg22[%add3A_645], %add3A_648 : memref<256xf32, #tpu.memory_space<vmem>>[vector<16xi32>], vector<16xf32>,
      %get3A_649 = arith.constant 0 : index
      %get3A_650 = tpu.vector_load %arg22[%get3A_649] {strides = array<i32>} : memref<256xf32, #tpu.memory_space<vmem>>, vector<16xf32>,
      %get3A_651 = arith.constant 16 : index
      %get3A_652 = tpu.vector_load %arg22[%get3A_651] {strides = array<i32>} : memref<256xf32, #tpu.memory_space<vmem>>, vector<16xf32>,
      %add3A_653 = arith.addf %get3A_650, %get3A_652 : vector<16xf32>
      %get3A_654 = arith.constant 32 : index
      %get3A_655 = tpu.vector_load %arg22[%get3A_654] {strides = array<i32>} : memref<256xf32, #tpu.memory_space<vmem>>, vector<16xf32>,
      %add3A_656 = arith.addf %add3A_653, %get3A_655 : vector<16xf32>
      %get3A_657 = arith.constant 48 : index
      %get3A_658 = tpu.vector_load %arg22[%get3A_657] {strides = array<i32>} : memref<256xf32, #tpu.memory_space<vmem>>, vector<16xf32>,
      %add3A_659 = arith.addf %add3A_656, %get3A_658 : vector<16xf32>
      %get3A_660 = arith.constant 64 : index
      %get3A_661 = tpu.vector_load %arg22[%get3A_660] {strides = array<i32>} : memref<256xf32, #tpu.memory_space<vmem>>, vector<16xf32>,
      %add3A_662 = arith.addf %add3A_659, %get3A_661 : vector<16xf32>
      %get3A_663 = arith.constant 80 : index
      %get3A_664 = tpu.vector_load %arg22[%get3A_663] {strides = array<i32>} : memref<256xf32, #tpu.memory_space<vmem>>, vector<16xf32>,
      %add3A_665 = arith.addf %add3A_662, %get3A_664 : vector<16xf32>
      %get3A_666 = arith.constant 96 : index
      %get3A_667 = tpu.vector_load %arg22[%get3A_666] {strides = array<i32>} : memref<256xf32, #tpu.memory_space<vmem>>, vector<16xf32>,
      %add3A_668 = arith.addf %add3A_665, %get3A_667 : vector<16xf32>
      %get3A_669 = arith.constant 112 : index
      %get3A_670 = tpu.vector_load %arg22[%get3A_669] {strides = array<i32>} : memref<256xf32, #tpu.memory_space<vmem>>, vector<16xf32>,
      %add3A_671 = arith.addf %add3A_668, %get3A_670 : vector<16xf32>
      %get3A_672 = arith.constant 128 : index
      %get3A_673 = tpu.vector_load %arg22[%get3A_672] {strides = array<i32>} : memref<256xf32, #tpu.memory_space<vmem>>, vector<16xf32>,
      %add3A_674 = arith.addf %add3A_671, %get3A_673 : vector<16xf32>
      %get3A_675 = arith.constant 144 : index
      %get3A_676 = tpu.vector_load %arg22[%get3A_675] {strides = array<i32>} : memref<256xf32, #tpu.memory_space<vmem>>, vector<16xf32>,
      %add3A_677 = arith.addf %add3A_674, %get3A_676 : vector<16xf32>
      %get3A_678 = arith.constant 160 : index
      %get3A_679 = tpu.vector_load %arg22[%get3A_678] {strides = array<i32>} : memref<256xf32, #tpu.memory_space<vmem>>, vector<16xf32>,
      %add3A_680 = arith.addf %add3A_677, %get3A_679 : vector<16xf32>
      %get3A_681 = arith.constant 176 : index
      %get3A_682 = tpu.vector_load %arg22[%get3A_681] {strides = array<i32>} : memref<256xf32, #tpu.memory_space<vmem>>, vector<16xf32>,
      %add3A_683 = arith.addf %add3A_680, %get3A_682 : vector<16xf32>
      %get3A_684 = arith.constant 192 : index
      %get3A_685 = tpu.vector_load %arg22[%get3A_684] {strides = array<i32>} : memref<256xf32, #tpu.memory_space<vmem>>, vector<16xf32>,
      %add3A_686 = arith.addf %add3A_683, %get3A_685 : vector<16xf32>
      %get3A_687 = arith.constant 208 : index
      %get3A_688 = tpu.vector_load %arg22[%get3A_687] {strides = array<i32>} : memref<256xf32, #tpu.memory_space<vmem>>, vector<16xf32>,
      %add3A_689 = arith.addf %add3A_686, %get3A_688 : vector<16xf32>
      %get3A_690 = arith.constant 224 : index
      %get3A_691 = tpu.vector_load %arg22[%get3A_690] {strides = array<i32>} : memref<256xf32, #tpu.memory_space<vmem>>, vector<16xf32>,
      %add3A_692 = arith.addf %add3A_689, %get3A_691 : vector<16xf32>
      %get3A_693 = arith.constant 240 : index
      %get3A_694 = tpu.vector_load %arg22[%get3A_693] {strides = array<i32>} : memref<256xf32, #tpu.memory_space<vmem>>, vector<16xf32>,
      %add3A_695 = arith.addf %add3A_692, %get3A_694 : vector<16xf32>
      %add3A_696 = arith.constant 0 : i32
      %add3A_697 = arith.addi %add3A_696, %multiple_of3A : i32
      %swap3A = arith.index_cast %add3A_697 : i32 to index
      %swap3A_698 = tpu.vector_load %arg19[%swap3A] {strides = array<i32>} : memref<512xf32, #tpu.memory_space<vmem>>, vector<16xf32>,
      tpu.vector_store %arg19[%swap3A], %add3A_695 {strides = array<i32>} : memref<512xf32, #tpu.memory_space<vmem>>, vector<16xf32>,
    }
    %scan3A_28 = arith.constant 16 : i32
    %scan3A_29 = arith.constant 0 : i32
    %scan3A_30 = arith.constant 0 : i32
    %scan3A_31 = arith.constant 16 : i32
    %scan3A_32 = arith.addi %scan3A_30, %scan3A_31 : i32
    %scan3A_33 = arith.constant 1 : i32
    scf.for %scan3A_65 = %scan3A_30 to %scan3A_32 step %scan3A_33  : i32 {
      %mul3A_66 = arith.constant 16 : i32
      %mul3A_67 = arith.muli %scan3A_65, %mul3A_66 : i32
      %multiple_of3A = tpu.assume_multiple %mul3A_67, 16 : i32
      %add3A_68 = arith.constant 256 : i32
      %add3A_69 = arith.addi %add3A_68, %multiple_of3A : i32
      %get3A_70 = arith.index_cast %add3A_69 : i32 to index
      %get3A_71 = tpu.vector_load %arg11[%get3A_70] {strides = array<i32>} : memref<512xi32, #tpu.memory_space<vmem>>, vector<16xi32>,
      %shift_right_logical3A = arith.constant 2 : i32
      %shift_right_logical3A_72 = vector.broadcast %shift_right_logical3A : i32 to vector<16xi32>
      %shift_right_logical3A_73 = arith.shrui %get3A_71, %shift_right_logical3A_72 : vector<16xi32>
      %swap3A = arith.index_cast %multiple_of3A : i32 to index
      %swap3A_74 = tpu.vector_load %arg13[%swap3A] {strides = array<i32>} : memref<256xi32, #tpu.memory_space<vmem>>, vector<16xi32>,
      tpu.vector_store %arg13[%swap3A], %shift_right_logical3A_73 {strides = array<i32>} : memref<256xi32, #tpu.memory_space<vmem>>, vector<16xi32>,
      %get3A_75 = arith.index_cast %add3A_69 : i32 to index
      %get3A_76 = tpu.vector_load %arg12[%get3A_75] {strides = array<i32>} : memref<512xi32, #tpu.memory_space<vmem>>, vector<16xi32>,
      %shift_right_logical3A_77 = arith.constant 2 : i32
      %shift_right_logical3A_78 = vector.broadcast %shift_right_logical3A_77 : i32 to vector<16xi32>
      %shift_right_logical3A_79 = arith.shrui %get3A_76, %shift_right_logical3A_78 : vector<16xi32>
      %swap3A_80 = arith.index_cast %multiple_of3A : i32 to index
      %swap3A_81 = tpu.vector_load %arg14[%swap3A_80] {strides = array<i32>} : memref<256xi32, #tpu.memory_space<vmem>>, vector<16xi32>,
      tpu.vector_store %arg14[%swap3A_80], %shift_right_logical3A_79 {strides = array<i32>} : memref<256xi32, #tpu.memory_space<vmem>>, vector<16xi32>,
    }
    %scan3A_34 = arith.constant 16 : i32
    %dma_start3A_35 = arith.constant 0 : i32
    %dma_start3A_36 = arith.constant 0 : i32
    %dma_start3A_37 = tpu.memref_slice %arg5[%dma_start3A_35, %dma_start3A_36] : memref<250000x128xf32, #tpu.memory_space<hbm>> -> memref<250000x128xf32, #tpu.memory_space<hbm>>
    tpu.enqueue_indirect_dma source(%dma_start3A_37 : memref<250000x128xf32, #tpu.memory_space<hbm>>) target(%arg15 : memref<256x128xf32, #tpu.memory_space<vmem>>) offsets(%arg13 : memref<256xi32, #tpu.memory_space<vmem>>) semaphore(%arg23 : memref<!tpu.dma_semaphore, #tpu.memory_space<semaphore_mem>>)
    %dma_start3A_38 = arith.constant 0 : i32
    %dma_start3A_39 = arith.constant 0 : i32
    %dma_start3A_40 = tpu.memref_slice %arg7[%dma_start3A_38, %dma_start3A_39] : memref<250000x128xf32, #tpu.memory_space<hbm>> -> memref<250000x128xf32, #tpu.memory_space<hbm>>
    tpu.enqueue_indirect_dma source(%dma_start3A_40 : memref<250000x128xf32, #tpu.memory_space<hbm>>) target(%arg16 : memref<256x128xf32, #tpu.memory_space<vmem>>) offsets(%arg14 : memref<256xi32, #tpu.memory_space<vmem>>) semaphore(%arg23 : memref<!tpu.dma_semaphore, #tpu.memory_space<semaphore_mem>>)
    %dma_wait3A_41 = arith.constant 0 : i32
    %dma_wait3A_42 = arith.constant 0 : i32
    %dma_wait3A_43 = tpu.memref_slice %arg5[%dma_wait3A_41, %dma_wait3A_42] : memref<250000x128xf32, #tpu.memory_space<hbm>> -> memref<250000x128xf32, #tpu.memory_space<hbm>>
    tpu.wait_indirect_dma semaphore(%arg23 : memref<!tpu.dma_semaphore, #tpu.memory_space<semaphore_mem>>) src(%dma_wait3A_43 : memref<250000x128xf32, #tpu.memory_space<hbm>>) dst(%arg15 : memref<256x128xf32, #tpu.memory_space<vmem>>)
    %dma_wait3A_44 = arith.constant 0 : i32
    %dma_wait3A_45 = arith.constant 0 : i32
    %dma_wait3A_46 = tpu.memref_slice %arg7[%dma_wait3A_44, %dma_wait3A_45] : memref<250000x128xf32, #tpu.memory_space<hbm>> -> memref<250000x128xf32, #tpu.memory_space<hbm>>
    tpu.wait_indirect_dma semaphore(%arg23 : memref<!tpu.dma_semaphore, #tpu.memory_space<semaphore_mem>>) src(%dma_wait3A_46 : memref<250000x128xf32, #tpu.memory_space<hbm>>) dst(%arg16 : memref<256x128xf32, #tpu.memory_space<vmem>>)
    %scan3A_47 = arith.constant 0 : i32
    %scan3A_48 = arith.constant 0 : i32
    %scan3A_49 = arith.constant 16 : i32
    %scan3A_50 = arith.addi %scan3A_48, %scan3A_49 : i32
    %scan3A_51 = arith.constant 1 : i32
    scf.for %scan3A_65 = %scan3A_48 to %scan3A_50 step %scan3A_51  : i32 {
      %mul3A_66 = arith.constant 16 : i32
      %mul3A_67 = arith.muli %scan3A_65, %mul3A_66 : i32
      %multiple_of3A = tpu.assume_multiple %mul3A_67, 16 : i32
      %add3A_68 = arith.constant 256 : i32
      %add3A_69 = arith.addi %add3A_68, %multiple_of3A : i32
      %get3A_70 = arith.index_cast %add3A_69 : i32 to index
      %get3A_71 = tpu.vector_load %arg11[%get3A_70] {strides = array<i32>} : memref<512xi32, #tpu.memory_space<vmem>>, vector<16xi32>,
      %add3A_72 = arith.constant 256 : i32
      %add3A_73 = arith.addi %add3A_72, %multiple_of3A : i32
      %get3A_74 = arith.index_cast %add3A_73 : i32 to index
      %get3A_75 = tpu.vector_load %arg12[%get3A_74] {strides = array<i32>} : memref<512xi32, #tpu.memory_space<vmem>>, vector<16xi32>,
      %add3A_76 = arith.constant 0 : i32
      %add3A_77 = arith.addi %multiple_of3A, %add3A_76 : i32
      %slice3A = vector.extract_strided_slice %get3A_71 {offsets = [0], sizes = [1], strides = [1]} : vector<16xi32> to vector<1xi32>
      %squeeze3A = vector.extract %slice3A[0] : i32 from vector<1xi32>
      %and3A = arith.constant 3 : i32
      %and3A_78 = arith.andi %squeeze3A, %and3A : i32
      %mul3A_79 = arith.constant 32 : i32
      %mul3A_80 = arith.muli %and3A_78, %mul3A_79 : i32
      %slice3A_81 = vector.extract_strided_slice %get3A_75 {offsets = [0], sizes = [1], strides = [1]} : vector<16xi32> to vector<1xi32>
      %squeeze3A_82 = vector.extract %slice3A_81[0] : i32 from vector<1xi32>
      %and3A_83 = arith.constant 3 : i32
      %and3A_84 = arith.andi %squeeze3A_82, %and3A_83 : i32
      %mul3A_85 = arith.constant 32 : i32
      %mul3A_86 = arith.muli %and3A_84, %mul3A_85 : i32
      %get3A_87 = arith.index_cast %add3A_77 : i32 to index
      %get3A_88 = arith.index_cast %mul3A_80 : i32 to index
      %get3A_89 = tpu.vector_load %arg15[%get3A_87, %get3A_88] {strides = array<i32>} : memref<256x128xf32, #tpu.memory_space<vmem>>, vector<16xf32>,
      %add3A_90 = arith.constant 16 : i32
      %add3A_91 = arith.addi %mul3A_80, %add3A_90 : i32
      %get3A_92 = arith.index_cast %add3A_77 : i32 to index
      %get3A_93 = arith.index_cast %add3A_91 : i32 to index
      %get3A_94 = tpu.vector_load %arg15[%get3A_92, %get3A_93] {strides = array<i32>} : memref<256x128xf32, #tpu.memory_space<vmem>>, vector<16xf32>,
      %get3A_95 = arith.index_cast %add3A_77 : i32 to index
      %get3A_96 = arith.index_cast %mul3A_86 : i32 to index
      %get3A_97 = tpu.vector_load %arg16[%get3A_95, %get3A_96] {strides = array<i32>} : memref<256x128xf32, #tpu.memory_space<vmem>>, vector<16xf32>,
      %add3A_98 = arith.constant 16 : i32
      %add3A_99 = arith.addi %mul3A_86, %add3A_98 : i32
      %get3A_100 = arith.index_cast %add3A_77 : i32 to index
      %get3A_101 = arith.index_cast %add3A_99 : i32 to index
      %get3A_102 = tpu.vector_load %arg16[%get3A_100, %get3A_101] {strides = array<i32>} : memref<256x128xf32, #tpu.memory_space<vmem>>, vector<16xf32>,
      %add3A_103 = arith.constant 0 : i32
      %add3A_104 = vector.broadcast %add3A_103 : i32 to vector<16xi32>
      %add3A_105 = arith.addi %get3A_6, %add3A_104 : vector<16xi32>
      %mul3A_106 = arith.mulf %get3A_89, %get3A_97 : vector<16xf32>
      %mul3A_107 = arith.mulf %get3A_94, %get3A_102 : vector<16xf32>
      %add3A_108 = arith.addf %mul3A_106, %mul3A_107 : vector<16xf32>
      tpu.vector_store_idx %arg22[%add3A_105], %add3A_108 : memref<256xf32, #tpu.memory_space<vmem>>[vector<16xi32>], vector<16xf32>,
      %add3A_109 = arith.constant 1 : i32
      %add3A_110 = arith.addi %multiple_of3A, %add3A_109 : i32
      %slice3A_111 = vector.extract_strided_slice %get3A_71 {offsets = [1], sizes = [1], strides = [1]} : vector<16xi32> to vector<1xi32>
      %squeeze3A_112 = vector.extract %slice3A_111[0] : i32 from vector<1xi32>
      %and3A_113 = arith.constant 3 : i32
      %and3A_114 = arith.andi %squeeze3A_112, %and3A_113 : i32
      %mul3A_115 = arith.constant 32 : i32
      %mul3A_116 = arith.muli %and3A_114, %mul3A_115 : i32
      %slice3A_117 = vector.extract_strided_slice %get3A_75 {offsets = [1], sizes = [1], strides = [1]} : vector<16xi32> to vector<1xi32>
      %squeeze3A_118 = vector.extract %slice3A_117[0] : i32 from vector<1xi32>
      %and3A_119 = arith.constant 3 : i32
      %and3A_120 = arith.andi %squeeze3A_118, %and3A_119 : i32
      %mul3A_121 = arith.constant 32 : i32
      %mul3A_122 = arith.muli %and3A_120, %mul3A_121 : i32
      %get3A_123 = arith.index_cast %add3A_110 : i32 to index
      %get3A_124 = arith.index_cast %mul3A_116 : i32 to index
      %get3A_125 = tpu.vector_load %arg15[%get3A_123, %get3A_124] {strides = array<i32>} : memref<256x128xf32, #tpu.memory_space<vmem>>, vector<16xf32>,
      %add3A_126 = arith.constant 16 : i32
      %add3A_127 = arith.addi %mul3A_116, %add3A_126 : i32
      %get3A_128 = arith.index_cast %add3A_110 : i32 to index
      %get3A_129 = arith.index_cast %add3A_127 : i32 to index
      %get3A_130 = tpu.vector_load %arg15[%get3A_128, %get3A_129] {strides = array<i32>} : memref<256x128xf32, #tpu.memory_space<vmem>>, vector<16xf32>,
      %get3A_131 = arith.index_cast %add3A_110 : i32 to index
      %get3A_132 = arith.index_cast %mul3A_122 : i32 to index
      %get3A_133 = tpu.vector_load %arg16[%get3A_131, %get3A_132] {strides = array<i32>} : memref<256x128xf32, #tpu.memory_space<vmem>>, vector<16xf32>,
      %add3A_134 = arith.constant 16 : i32
      %add3A_135 = arith.addi %mul3A_122, %add3A_134 : i32
      %get3A_136 = arith.index_cast %add3A_110 : i32 to index
      %get3A_137 = arith.index_cast %add3A_135 : i32 to index
      %get3A_138 = tpu.vector_load %arg16[%get3A_136, %get3A_137] {strides = array<i32>} : memref<256x128xf32, #tpu.memory_space<vmem>>, vector<16xf32>,
      %add3A_139 = arith.constant 1 : i32
      %add3A_140 = vector.broadcast %add3A_139 : i32 to vector<16xi32>
      %add3A_141 = arith.addi %get3A_6, %add3A_140 : vector<16xi32>
      %mul3A_142 = arith.mulf %get3A_125, %get3A_133 : vector<16xf32>
      %mul3A_143 = arith.mulf %get3A_130, %get3A_138 : vector<16xf32>
      %add3A_144 = arith.addf %mul3A_142, %mul3A_143 : vector<16xf32>
      tpu.vector_store_idx %arg22[%add3A_141], %add3A_144 : memref<256xf32, #tpu.memory_space<vmem>>[vector<16xi32>], vector<16xf32>,
      %add3A_145 = arith.constant 2 : i32
      %add3A_146 = arith.addi %multiple_of3A, %add3A_145 : i32
      %slice3A_147 = vector.extract_strided_slice %get3A_71 {offsets = [2], sizes = [1], strides = [1]} : vector<16xi32> to vector<1xi32>
      %squeeze3A_148 = vector.extract %slice3A_147[0] : i32 from vector<1xi32>
      %and3A_149 = arith.constant 3 : i32
      %and3A_150 = arith.andi %squeeze3A_148, %and3A_149 : i32
      %mul3A_151 = arith.constant 32 : i32
      %mul3A_152 = arith.muli %and3A_150, %mul3A_151 : i32
      %slice3A_153 = vector.extract_strided_slice %get3A_75 {offsets = [2], sizes = [1], strides = [1]} : vector<16xi32> to vector<1xi32>
      %squeeze3A_154 = vector.extract %slice3A_153[0] : i32 from vector<1xi32>
      %and3A_155 = arith.constant 3 : i32
      %and3A_156 = arith.andi %squeeze3A_154, %and3A_155 : i32
      %mul3A_157 = arith.constant 32 : i32
      %mul3A_158 = arith.muli %and3A_156, %mul3A_157 : i32
      %get3A_159 = arith.index_cast %add3A_146 : i32 to index
      %get3A_160 = arith.index_cast %mul3A_152 : i32 to index
      %get3A_161 = tpu.vector_load %arg15[%get3A_159, %get3A_160] {strides = array<i32>} : memref<256x128xf32, #tpu.memory_space<vmem>>, vector<16xf32>,
      %add3A_162 = arith.constant 16 : i32
      %add3A_163 = arith.addi %mul3A_152, %add3A_162 : i32
      %get3A_164 = arith.index_cast %add3A_146 : i32 to index
      %get3A_165 = arith.index_cast %add3A_163 : i32 to index
      %get3A_166 = tpu.vector_load %arg15[%get3A_164, %get3A_165] {strides = array<i32>} : memref<256x128xf32, #tpu.memory_space<vmem>>, vector<16xf32>,
      %get3A_167 = arith.index_cast %add3A_146 : i32 to index
      %get3A_168 = arith.index_cast %mul3A_158 : i32 to index
      %get3A_169 = tpu.vector_load %arg16[%get3A_167, %get3A_168] {strides = array<i32>} : memref<256x128xf32, #tpu.memory_space<vmem>>, vector<16xf32>,
      %add3A_170 = arith.constant 16 : i32
      %add3A_171 = arith.addi %mul3A_158, %add3A_170 : i32
      %get3A_172 = arith.index_cast %add3A_146 : i32 to index
      %get3A_173 = arith.index_cast %add3A_171 : i32 to index
      %get3A_174 = tpu.vector_load %arg16[%get3A_172, %get3A_173] {strides = array<i32>} : memref<256x128xf32, #tpu.memory_space<vmem>>, vector<16xf32>,
      %add3A_175 = arith.constant 2 : i32
      %add3A_176 = vector.broadcast %add3A_175 : i32 to vector<16xi32>
      %add3A_177 = arith.addi %get3A_6, %add3A_176 : vector<16xi32>
      %mul3A_178 = arith.mulf %get3A_161, %get3A_169 : vector<16xf32>
      %mul3A_179 = arith.mulf %get3A_166, %get3A_174 : vector<16xf32>
      %add3A_180 = arith.addf %mul3A_178, %mul3A_179 : vector<16xf32>
      tpu.vector_store_idx %arg22[%add3A_177], %add3A_180 : memref<256xf32, #tpu.memory_space<vmem>>[vector<16xi32>], vector<16xf32>,
      %add3A_181 = arith.constant 3 : i32
      %add3A_182 = arith.addi %multiple_of3A, %add3A_181 : i32
      %slice3A_183 = vector.extract_strided_slice %get3A_71 {offsets = [3], sizes = [1], strides = [1]} : vector<16xi32> to vector<1xi32>
      %squeeze3A_184 = vector.extract %slice3A_183[0] : i32 from vector<1xi32>
      %and3A_185 = arith.constant 3 : i32
      %and3A_186 = arith.andi %squeeze3A_184, %and3A_185 : i32
      %mul3A_187 = arith.constant 32 : i32
      %mul3A_188 = arith.muli %and3A_186, %mul3A_187 : i32
      %slice3A_189 = vector.extract_strided_slice %get3A_75 {offsets = [3], sizes = [1], strides = [1]} : vector<16xi32> to vector<1xi32>
      %squeeze3A_190 = vector.extract %slice3A_189[0] : i32 from vector<1xi32>
      %and3A_191 = arith.constant 3 : i32
      %and3A_192 = arith.andi %squeeze3A_190, %and3A_191 : i32
      %mul3A_193 = arith.constant 32 : i32
      %mul3A_194 = arith.muli %and3A_192, %mul3A_193 : i32
      %get3A_195 = arith.index_cast %add3A_182 : i32 to index
      %get3A_196 = arith.index_cast %mul3A_188 : i32 to index
      %get3A_197 = tpu.vector_load %arg15[%get3A_195, %get3A_196] {strides = array<i32>} : memref<256x128xf32, #tpu.memory_space<vmem>>, vector<16xf32>,
      %add3A_198 = arith.constant 16 : i32
      %add3A_199 = arith.addi %mul3A_188, %add3A_198 : i32
      %get3A_200 = arith.index_cast %add3A_182 : i32 to index
      %get3A_201 = arith.index_cast %add3A_199 : i32 to index
      %get3A_202 = tpu.vector_load %arg15[%get3A_200, %get3A_201] {strides = array<i32>} : memref<256x128xf32, #tpu.memory_space<vmem>>, vector<16xf32>,
      %get3A_203 = arith.index_cast %add3A_182 : i32 to index
      %get3A_204 = arith.index_cast %mul3A_194 : i32 to index
      %get3A_205 = tpu.vector_load %arg16[%get3A_203, %get3A_204] {strides = array<i32>} : memref<256x128xf32, #tpu.memory_space<vmem>>, vector<16xf32>,
      %add3A_206 = arith.constant 16 : i32
      %add3A_207 = arith.addi %mul3A_194, %add3A_206 : i32
      %get3A_208 = arith.index_cast %add3A_182 : i32 to index
      %get3A_209 = arith.index_cast %add3A_207 : i32 to index
      %get3A_210 = tpu.vector_load %arg16[%get3A_208, %get3A_209] {strides = array<i32>} : memref<256x128xf32, #tpu.memory_space<vmem>>, vector<16xf32>,
      %add3A_211 = arith.constant 3 : i32
      %add3A_212 = vector.broadcast %add3A_211 : i32 to vector<16xi32>
      %add3A_213 = arith.addi %get3A_6, %add3A_212 : vector<16xi32>
      %mul3A_214 = arith.mulf %get3A_197, %get3A_205 : vector<16xf32>
      %mul3A_215 = arith.mulf %get3A_202, %get3A_210 : vector<16xf32>
      %add3A_216 = arith.addf %mul3A_214, %mul3A_215 : vector<16xf32>
      tpu.vector_store_idx %arg22[%add3A_213], %add3A_216 : memref<256xf32, #tpu.memory_space<vmem>>[vector<16xi32>], vector<16xf32>,
      %add3A_217 = arith.constant 4 : i32
      %add3A_218 = arith.addi %multiple_of3A, %add3A_217 : i32
      %slice3A_219 = vector.extract_strided_slice %get3A_71 {offsets = [4], sizes = [1], strides = [1]} : vector<16xi32> to vector<1xi32>
      %squeeze3A_220 = vector.extract %slice3A_219[0] : i32 from vector<1xi32>
      %and3A_221 = arith.constant 3 : i32
      %and3A_222 = arith.andi %squeeze3A_220, %and3A_221 : i32
      %mul3A_223 = arith.constant 32 : i32
      %mul3A_224 = arith.muli %and3A_222, %mul3A_223 : i32
      %slice3A_225 = vector.extract_strided_slice %get3A_75 {offsets = [4], sizes = [1], strides = [1]} : vector<16xi32> to vector<1xi32>
      %squeeze3A_226 = vector.extract %slice3A_225[0] : i32 from vector<1xi32>
      %and3A_227 = arith.constant 3 : i32
      %and3A_228 = arith.andi %squeeze3A_226, %and3A_227 : i32
      %mul3A_229 = arith.constant 32 : i32
      %mul3A_230 = arith.muli %and3A_228, %mul3A_229 : i32
      %get3A_231 = arith.index_cast %add3A_218 : i32 to index
      %get3A_232 = arith.index_cast %mul3A_224 : i32 to index
      %get3A_233 = tpu.vector_load %arg15[%get3A_231, %get3A_232] {strides = array<i32>} : memref<256x128xf32, #tpu.memory_space<vmem>>, vector<16xf32>,
      %add3A_234 = arith.constant 16 : i32
      %add3A_235 = arith.addi %mul3A_224, %add3A_234 : i32
      %get3A_236 = arith.index_cast %add3A_218 : i32 to index
      %get3A_237 = arith.index_cast %add3A_235 : i32 to index
      %get3A_238 = tpu.vector_load %arg15[%get3A_236, %get3A_237] {strides = array<i32>} : memref<256x128xf32, #tpu.memory_space<vmem>>, vector<16xf32>,
      %get3A_239 = arith.index_cast %add3A_218 : i32 to index
      %get3A_240 = arith.index_cast %mul3A_230 : i32 to index
      %get3A_241 = tpu.vector_load %arg16[%get3A_239, %get3A_240] {strides = array<i32>} : memref<256x128xf32, #tpu.memory_space<vmem>>, vector<16xf32>,
      %add3A_242 = arith.constant 16 : i32
      %add3A_243 = arith.addi %mul3A_230, %add3A_242 : i32
      %get3A_244 = arith.index_cast %add3A_218 : i32 to index
      %get3A_245 = arith.index_cast %add3A_243 : i32 to index
      %get3A_246 = tpu.vector_load %arg16[%get3A_244, %get3A_245] {strides = array<i32>} : memref<256x128xf32, #tpu.memory_space<vmem>>, vector<16xf32>,
      %add3A_247 = arith.constant 4 : i32
      %add3A_248 = vector.broadcast %add3A_247 : i32 to vector<16xi32>
      %add3A_249 = arith.addi %get3A_6, %add3A_248 : vector<16xi32>
      %mul3A_250 = arith.mulf %get3A_233, %get3A_241 : vector<16xf32>
      %mul3A_251 = arith.mulf %get3A_238, %get3A_246 : vector<16xf32>
      %add3A_252 = arith.addf %mul3A_250, %mul3A_251 : vector<16xf32>
      tpu.vector_store_idx %arg22[%add3A_249], %add3A_252 : memref<256xf32, #tpu.memory_space<vmem>>[vector<16xi32>], vector<16xf32>,
      %add3A_253 = arith.constant 5 : i32
      %add3A_254 = arith.addi %multiple_of3A, %add3A_253 : i32
      %slice3A_255 = vector.extract_strided_slice %get3A_71 {offsets = [5], sizes = [1], strides = [1]} : vector<16xi32> to vector<1xi32>
      %squeeze3A_256 = vector.extract %slice3A_255[0] : i32 from vector<1xi32>
      %and3A_257 = arith.constant 3 : i32
      %and3A_258 = arith.andi %squeeze3A_256, %and3A_257 : i32
      %mul3A_259 = arith.constant 32 : i32
      %mul3A_260 = arith.muli %and3A_258, %mul3A_259 : i32
      %slice3A_261 = vector.extract_strided_slice %get3A_75 {offsets = [5], sizes = [1], strides = [1]} : vector<16xi32> to vector<1xi32>
      %squeeze3A_262 = vector.extract %slice3A_261[0] : i32 from vector<1xi32>
      %and3A_263 = arith.constant 3 : i32
      %and3A_264 = arith.andi %squeeze3A_262, %and3A_263 : i32
      %mul3A_265 = arith.constant 32 : i32
      %mul3A_266 = arith.muli %and3A_264, %mul3A_265 : i32
      %get3A_267 = arith.index_cast %add3A_254 : i32 to index
      %get3A_268 = arith.index_cast %mul3A_260 : i32 to index
      %get3A_269 = tpu.vector_load %arg15[%get3A_267, %get3A_268] {strides = array<i32>} : memref<256x128xf32, #tpu.memory_space<vmem>>, vector<16xf32>,
      %add3A_270 = arith.constant 16 : i32
      %add3A_271 = arith.addi %mul3A_260, %add3A_270 : i32
      %get3A_272 = arith.index_cast %add3A_254 : i32 to index
      %get3A_273 = arith.index_cast %add3A_271 : i32 to index
      %get3A_274 = tpu.vector_load %arg15[%get3A_272, %get3A_273] {strides = array<i32>} : memref<256x128xf32, #tpu.memory_space<vmem>>, vector<16xf32>,
      %get3A_275 = arith.index_cast %add3A_254 : i32 to index
      %get3A_276 = arith.index_cast %mul3A_266 : i32 to index
      %get3A_277 = tpu.vector_load %arg16[%get3A_275, %get3A_276] {strides = array<i32>} : memref<256x128xf32, #tpu.memory_space<vmem>>, vector<16xf32>,
      %add3A_278 = arith.constant 16 : i32
      %add3A_279 = arith.addi %mul3A_266, %add3A_278 : i32
      %get3A_280 = arith.index_cast %add3A_254 : i32 to index
      %get3A_281 = arith.index_cast %add3A_279 : i32 to index
      %get3A_282 = tpu.vector_load %arg16[%get3A_280, %get3A_281] {strides = array<i32>} : memref<256x128xf32, #tpu.memory_space<vmem>>, vector<16xf32>,
      %add3A_283 = arith.constant 5 : i32
      %add3A_284 = vector.broadcast %add3A_283 : i32 to vector<16xi32>
      %add3A_285 = arith.addi %get3A_6, %add3A_284 : vector<16xi32>
      %mul3A_286 = arith.mulf %get3A_269, %get3A_277 : vector<16xf32>
      %mul3A_287 = arith.mulf %get3A_274, %get3A_282 : vector<16xf32>
      %add3A_288 = arith.addf %mul3A_286, %mul3A_287 : vector<16xf32>
      tpu.vector_store_idx %arg22[%add3A_285], %add3A_288 : memref<256xf32, #tpu.memory_space<vmem>>[vector<16xi32>], vector<16xf32>,
      %add3A_289 = arith.constant 6 : i32
      %add3A_290 = arith.addi %multiple_of3A, %add3A_289 : i32
      %slice3A_291 = vector.extract_strided_slice %get3A_71 {offsets = [6], sizes = [1], strides = [1]} : vector<16xi32> to vector<1xi32>
      %squeeze3A_292 = vector.extract %slice3A_291[0] : i32 from vector<1xi32>
      %and3A_293 = arith.constant 3 : i32
      %and3A_294 = arith.andi %squeeze3A_292, %and3A_293 : i32
      %mul3A_295 = arith.constant 32 : i32
      %mul3A_296 = arith.muli %and3A_294, %mul3A_295 : i32
      %slice3A_297 = vector.extract_strided_slice %get3A_75 {offsets = [6], sizes = [1], strides = [1]} : vector<16xi32> to vector<1xi32>
      %squeeze3A_298 = vector.extract %slice3A_297[0] : i32 from vector<1xi32>
      %and3A_299 = arith.constant 3 : i32
      %and3A_300 = arith.andi %squeeze3A_298, %and3A_299 : i32
      %mul3A_301 = arith.constant 32 : i32
      %mul3A_302 = arith.muli %and3A_300, %mul3A_301 : i32
      %get3A_303 = arith.index_cast %add3A_290 : i32 to index
      %get3A_304 = arith.index_cast %mul3A_296 : i32 to index
      %get3A_305 = tpu.vector_load %arg15[%get3A_303, %get3A_304] {strides = array<i32>} : memref<256x128xf32, #tpu.memory_space<vmem>>, vector<16xf32>,
      %add3A_306 = arith.constant 16 : i32
      %add3A_307 = arith.addi %mul3A_296, %add3A_306 : i32
      %get3A_308 = arith.index_cast %add3A_290 : i32 to index
      %get3A_309 = arith.index_cast %add3A_307 : i32 to index
      %get3A_310 = tpu.vector_load %arg15[%get3A_308, %get3A_309] {strides = array<i32>} : memref<256x128xf32, #tpu.memory_space<vmem>>, vector<16xf32>,
      %get3A_311 = arith.index_cast %add3A_290 : i32 to index
      %get3A_312 = arith.index_cast %mul3A_302 : i32 to index
      %get3A_313 = tpu.vector_load %arg16[%get3A_311, %get3A_312] {strides = array<i32>} : memref<256x128xf32, #tpu.memory_space<vmem>>, vector<16xf32>,
      %add3A_314 = arith.constant 16 : i32
      %add3A_315 = arith.addi %mul3A_302, %add3A_314 : i32
      %get3A_316 = arith.index_cast %add3A_290 : i32 to index
      %get3A_317 = arith.index_cast %add3A_315 : i32 to index
      %get3A_318 = tpu.vector_load %arg16[%get3A_316, %get3A_317] {strides = array<i32>} : memref<256x128xf32, #tpu.memory_space<vmem>>, vector<16xf32>,
      %add3A_319 = arith.constant 6 : i32
      %add3A_320 = vector.broadcast %add3A_319 : i32 to vector<16xi32>
      %add3A_321 = arith.addi %get3A_6, %add3A_320 : vector<16xi32>
      %mul3A_322 = arith.mulf %get3A_305, %get3A_313 : vector<16xf32>
      %mul3A_323 = arith.mulf %get3A_310, %get3A_318 : vector<16xf32>
      %add3A_324 = arith.addf %mul3A_322, %mul3A_323 : vector<16xf32>
      tpu.vector_store_idx %arg22[%add3A_321], %add3A_324 : memref<256xf32, #tpu.memory_space<vmem>>[vector<16xi32>], vector<16xf32>,
      %add3A_325 = arith.constant 7 : i32
      %add3A_326 = arith.addi %multiple_of3A, %add3A_325 : i32
      %slice3A_327 = vector.extract_strided_slice %get3A_71 {offsets = [7], sizes = [1], strides = [1]} : vector<16xi32> to vector<1xi32>
      %squeeze3A_328 = vector.extract %slice3A_327[0] : i32 from vector<1xi32>
      %and3A_329 = arith.constant 3 : i32
      %and3A_330 = arith.andi %squeeze3A_328, %and3A_329 : i32
      %mul3A_331 = arith.constant 32 : i32
      %mul3A_332 = arith.muli %and3A_330, %mul3A_331 : i32
      %slice3A_333 = vector.extract_strided_slice %get3A_75 {offsets = [7], sizes = [1], strides = [1]} : vector<16xi32> to vector<1xi32>
      %squeeze3A_334 = vector.extract %slice3A_333[0] : i32 from vector<1xi32>
      %and3A_335 = arith.constant 3 : i32
      %and3A_336 = arith.andi %squeeze3A_334, %and3A_335 : i32
      %mul3A_337 = arith.constant 32 : i32
      %mul3A_338 = arith.muli %and3A_336, %mul3A_337 : i32
      %get3A_339 = arith.index_cast %add3A_326 : i32 to index
      %get3A_340 = arith.index_cast %mul3A_332 : i32 to index
      %get3A_341 = tpu.vector_load %arg15[%get3A_339, %get3A_340] {strides = array<i32>} : memref<256x128xf32, #tpu.memory_space<vmem>>, vector<16xf32>,
      %add3A_342 = arith.constant 16 : i32
      %add3A_343 = arith.addi %mul3A_332, %add3A_342 : i32
      %get3A_344 = arith.index_cast %add3A_326 : i32 to index
      %get3A_345 = arith.index_cast %add3A_343 : i32 to index
      %get3A_346 = tpu.vector_load %arg15[%get3A_344, %get3A_345] {strides = array<i32>} : memref<256x128xf32, #tpu.memory_space<vmem>>, vector<16xf32>,
      %get3A_347 = arith.index_cast %add3A_326 : i32 to index
      %get3A_348 = arith.index_cast %mul3A_338 : i32 to index
      %get3A_349 = tpu.vector_load %arg16[%get3A_347, %get3A_348] {strides = array<i32>} : memref<256x128xf32, #tpu.memory_space<vmem>>, vector<16xf32>,
      %add3A_350 = arith.constant 16 : i32
      %add3A_351 = arith.addi %mul3A_338, %add3A_350 : i32
      %get3A_352 = arith.index_cast %add3A_326 : i32 to index
      %get3A_353 = arith.index_cast %add3A_351 : i32 to index
      %get3A_354 = tpu.vector_load %arg16[%get3A_352, %get3A_353] {strides = array<i32>} : memref<256x128xf32, #tpu.memory_space<vmem>>, vector<16xf32>,
      %add3A_355 = arith.constant 7 : i32
      %add3A_356 = vector.broadcast %add3A_355 : i32 to vector<16xi32>
      %add3A_357 = arith.addi %get3A_6, %add3A_356 : vector<16xi32>
      %mul3A_358 = arith.mulf %get3A_341, %get3A_349 : vector<16xf32>
      %mul3A_359 = arith.mulf %get3A_346, %get3A_354 : vector<16xf32>
      %add3A_360 = arith.addf %mul3A_358, %mul3A_359 : vector<16xf32>
      tpu.vector_store_idx %arg22[%add3A_357], %add3A_360 : memref<256xf32, #tpu.memory_space<vmem>>[vector<16xi32>], vector<16xf32>,
      %add3A_361 = arith.constant 8 : i32
      %add3A_362 = arith.addi %multiple_of3A, %add3A_361 : i32
      %slice3A_363 = vector.extract_strided_slice %get3A_71 {offsets = [8], sizes = [1], strides = [1]} : vector<16xi32> to vector<1xi32>
      %squeeze3A_364 = vector.extract %slice3A_363[0] : i32 from vector<1xi32>
      %and3A_365 = arith.constant 3 : i32
      %and3A_366 = arith.andi %squeeze3A_364, %and3A_365 : i32
      %mul3A_367 = arith.constant 32 : i32
      %mul3A_368 = arith.muli %and3A_366, %mul3A_367 : i32
      %slice3A_369 = vector.extract_strided_slice %get3A_75 {offsets = [8], sizes = [1], strides = [1]} : vector<16xi32> to vector<1xi32>
      %squeeze3A_370 = vector.extract %slice3A_369[0] : i32 from vector<1xi32>
      %and3A_371 = arith.constant 3 : i32
      %and3A_372 = arith.andi %squeeze3A_370, %and3A_371 : i32
      %mul3A_373 = arith.constant 32 : i32
      %mul3A_374 = arith.muli %and3A_372, %mul3A_373 : i32
      %get3A_375 = arith.index_cast %add3A_362 : i32 to index
      %get3A_376 = arith.index_cast %mul3A_368 : i32 to index
      %get3A_377 = tpu.vector_load %arg15[%get3A_375, %get3A_376] {strides = array<i32>} : memref<256x128xf32, #tpu.memory_space<vmem>>, vector<16xf32>,
      %add3A_378 = arith.constant 16 : i32
      %add3A_379 = arith.addi %mul3A_368, %add3A_378 : i32
      %get3A_380 = arith.index_cast %add3A_362 : i32 to index
      %get3A_381 = arith.index_cast %add3A_379 : i32 to index
      %get3A_382 = tpu.vector_load %arg15[%get3A_380, %get3A_381] {strides = array<i32>} : memref<256x128xf32, #tpu.memory_space<vmem>>, vector<16xf32>,
      %get3A_383 = arith.index_cast %add3A_362 : i32 to index
      %get3A_384 = arith.index_cast %mul3A_374 : i32 to index
      %get3A_385 = tpu.vector_load %arg16[%get3A_383, %get3A_384] {strides = array<i32>} : memref<256x128xf32, #tpu.memory_space<vmem>>, vector<16xf32>,
      %add3A_386 = arith.constant 16 : i32
      %add3A_387 = arith.addi %mul3A_374, %add3A_386 : i32
      %get3A_388 = arith.index_cast %add3A_362 : i32 to index
      %get3A_389 = arith.index_cast %add3A_387 : i32 to index
      %get3A_390 = tpu.vector_load %arg16[%get3A_388, %get3A_389] {strides = array<i32>} : memref<256x128xf32, #tpu.memory_space<vmem>>, vector<16xf32>,
      %add3A_391 = arith.constant 8 : i32
      %add3A_392 = vector.broadcast %add3A_391 : i32 to vector<16xi32>
      %add3A_393 = arith.addi %get3A_6, %add3A_392 : vector<16xi32>
      %mul3A_394 = arith.mulf %get3A_377, %get3A_385 : vector<16xf32>
      %mul3A_395 = arith.mulf %get3A_382, %get3A_390 : vector<16xf32>
      %add3A_396 = arith.addf %mul3A_394, %mul3A_395 : vector<16xf32>
      tpu.vector_store_idx %arg22[%add3A_393], %add3A_396 : memref<256xf32, #tpu.memory_space<vmem>>[vector<16xi32>], vector<16xf32>,
      %add3A_397 = arith.constant 9 : i32
      %add3A_398 = arith.addi %multiple_of3A, %add3A_397 : i32
      %slice3A_399 = vector.extract_strided_slice %get3A_71 {offsets = [9], sizes = [1], strides = [1]} : vector<16xi32> to vector<1xi32>
      %squeeze3A_400 = vector.extract %slice3A_399[0] : i32 from vector<1xi32>
      %and3A_401 = arith.constant 3 : i32
      %and3A_402 = arith.andi %squeeze3A_400, %and3A_401 : i32
      %mul3A_403 = arith.constant 32 : i32
      %mul3A_404 = arith.muli %and3A_402, %mul3A_403 : i32
      %slice3A_405 = vector.extract_strided_slice %get3A_75 {offsets = [9], sizes = [1], strides = [1]} : vector<16xi32> to vector<1xi32>
      %squeeze3A_406 = vector.extract %slice3A_405[0] : i32 from vector<1xi32>
      %and3A_407 = arith.constant 3 : i32
      %and3A_408 = arith.andi %squeeze3A_406, %and3A_407 : i32
      %mul3A_409 = arith.constant 32 : i32
      %mul3A_410 = arith.muli %and3A_408, %mul3A_409 : i32
      %get3A_411 = arith.index_cast %add3A_398 : i32 to index
      %get3A_412 = arith.index_cast %mul3A_404 : i32 to index
      %get3A_413 = tpu.vector_load %arg15[%get3A_411, %get3A_412] {strides = array<i32>} : memref<256x128xf32, #tpu.memory_space<vmem>>, vector<16xf32>,
      %add3A_414 = arith.constant 16 : i32
      %add3A_415 = arith.addi %mul3A_404, %add3A_414 : i32
      %get3A_416 = arith.index_cast %add3A_398 : i32 to index
      %get3A_417 = arith.index_cast %add3A_415 : i32 to index
      %get3A_418 = tpu.vector_load %arg15[%get3A_416, %get3A_417] {strides = array<i32>} : memref<256x128xf32, #tpu.memory_space<vmem>>, vector<16xf32>,
      %get3A_419 = arith.index_cast %add3A_398 : i32 to index
      %get3A_420 = arith.index_cast %mul3A_410 : i32 to index
      %get3A_421 = tpu.vector_load %arg16[%get3A_419, %get3A_420] {strides = array<i32>} : memref<256x128xf32, #tpu.memory_space<vmem>>, vector<16xf32>,
      %add3A_422 = arith.constant 16 : i32
      %add3A_423 = arith.addi %mul3A_410, %add3A_422 : i32
      %get3A_424 = arith.index_cast %add3A_398 : i32 to index
      %get3A_425 = arith.index_cast %add3A_423 : i32 to index
      %get3A_426 = tpu.vector_load %arg16[%get3A_424, %get3A_425] {strides = array<i32>} : memref<256x128xf32, #tpu.memory_space<vmem>>, vector<16xf32>,
      %add3A_427 = arith.constant 9 : i32
      %add3A_428 = vector.broadcast %add3A_427 : i32 to vector<16xi32>
      %add3A_429 = arith.addi %get3A_6, %add3A_428 : vector<16xi32>
      %mul3A_430 = arith.mulf %get3A_413, %get3A_421 : vector<16xf32>
      %mul3A_431 = arith.mulf %get3A_418, %get3A_426 : vector<16xf32>
      %add3A_432 = arith.addf %mul3A_430, %mul3A_431 : vector<16xf32>
      tpu.vector_store_idx %arg22[%add3A_429], %add3A_432 : memref<256xf32, #tpu.memory_space<vmem>>[vector<16xi32>], vector<16xf32>,
      %add3A_433 = arith.constant 10 : i32
      %add3A_434 = arith.addi %multiple_of3A, %add3A_433 : i32
      %slice3A_435 = vector.extract_strided_slice %get3A_71 {offsets = [10], sizes = [1], strides = [1]} : vector<16xi32> to vector<1xi32>
      %squeeze3A_436 = vector.extract %slice3A_435[0] : i32 from vector<1xi32>
      %and3A_437 = arith.constant 3 : i32
      %and3A_438 = arith.andi %squeeze3A_436, %and3A_437 : i32
      %mul3A_439 = arith.constant 32 : i32
      %mul3A_440 = arith.muli %and3A_438, %mul3A_439 : i32
      %slice3A_441 = vector.extract_strided_slice %get3A_75 {offsets = [10], sizes = [1], strides = [1]} : vector<16xi32> to vector<1xi32>
      %squeeze3A_442 = vector.extract %slice3A_441[0] : i32 from vector<1xi32>
      %and3A_443 = arith.constant 3 : i32
      %and3A_444 = arith.andi %squeeze3A_442, %and3A_443 : i32
      %mul3A_445 = arith.constant 32 : i32
      %mul3A_446 = arith.muli %and3A_444, %mul3A_445 : i32
      %get3A_447 = arith.index_cast %add3A_434 : i32 to index
      %get3A_448 = arith.index_cast %mul3A_440 : i32 to index
      %get3A_449 = tpu.vector_load %arg15[%get3A_447, %get3A_448] {strides = array<i32>} : memref<256x128xf32, #tpu.memory_space<vmem>>, vector<16xf32>,
      %add3A_450 = arith.constant 16 : i32
      %add3A_451 = arith.addi %mul3A_440, %add3A_450 : i32
      %get3A_452 = arith.index_cast %add3A_434 : i32 to index
      %get3A_453 = arith.index_cast %add3A_451 : i32 to index
      %get3A_454 = tpu.vector_load %arg15[%get3A_452, %get3A_453] {strides = array<i32>} : memref<256x128xf32, #tpu.memory_space<vmem>>, vector<16xf32>,
      %get3A_455 = arith.index_cast %add3A_434 : i32 to index
      %get3A_456 = arith.index_cast %mul3A_446 : i32 to index
      %get3A_457 = tpu.vector_load %arg16[%get3A_455, %get3A_456] {strides = array<i32>} : memref<256x128xf32, #tpu.memory_space<vmem>>, vector<16xf32>,
      %add3A_458 = arith.constant 16 : i32
      %add3A_459 = arith.addi %mul3A_446, %add3A_458 : i32
      %get3A_460 = arith.index_cast %add3A_434 : i32 to index
      %get3A_461 = arith.index_cast %add3A_459 : i32 to index
      %get3A_462 = tpu.vector_load %arg16[%get3A_460, %get3A_461] {strides = array<i32>} : memref<256x128xf32, #tpu.memory_space<vmem>>, vector<16xf32>,
      %add3A_463 = arith.constant 10 : i32
      %add3A_464 = vector.broadcast %add3A_463 : i32 to vector<16xi32>
      %add3A_465 = arith.addi %get3A_6, %add3A_464 : vector<16xi32>
      %mul3A_466 = arith.mulf %get3A_449, %get3A_457 : vector<16xf32>
      %mul3A_467 = arith.mulf %get3A_454, %get3A_462 : vector<16xf32>
      %add3A_468 = arith.addf %mul3A_466, %mul3A_467 : vector<16xf32>
      tpu.vector_store_idx %arg22[%add3A_465], %add3A_468 : memref<256xf32, #tpu.memory_space<vmem>>[vector<16xi32>], vector<16xf32>,
      %add3A_469 = arith.constant 11 : i32
      %add3A_470 = arith.addi %multiple_of3A, %add3A_469 : i32
      %slice3A_471 = vector.extract_strided_slice %get3A_71 {offsets = [11], sizes = [1], strides = [1]} : vector<16xi32> to vector<1xi32>
      %squeeze3A_472 = vector.extract %slice3A_471[0] : i32 from vector<1xi32>
      %and3A_473 = arith.constant 3 : i32
      %and3A_474 = arith.andi %squeeze3A_472, %and3A_473 : i32
      %mul3A_475 = arith.constant 32 : i32
      %mul3A_476 = arith.muli %and3A_474, %mul3A_475 : i32
      %slice3A_477 = vector.extract_strided_slice %get3A_75 {offsets = [11], sizes = [1], strides = [1]} : vector<16xi32> to vector<1xi32>
      %squeeze3A_478 = vector.extract %slice3A_477[0] : i32 from vector<1xi32>
      %and3A_479 = arith.constant 3 : i32
      %and3A_480 = arith.andi %squeeze3A_478, %and3A_479 : i32
      %mul3A_481 = arith.constant 32 : i32
      %mul3A_482 = arith.muli %and3A_480, %mul3A_481 : i32
      %get3A_483 = arith.index_cast %add3A_470 : i32 to index
      %get3A_484 = arith.index_cast %mul3A_476 : i32 to index
      %get3A_485 = tpu.vector_load %arg15[%get3A_483, %get3A_484] {strides = array<i32>} : memref<256x128xf32, #tpu.memory_space<vmem>>, vector<16xf32>,
      %add3A_486 = arith.constant 16 : i32
      %add3A_487 = arith.addi %mul3A_476, %add3A_486 : i32
      %get3A_488 = arith.index_cast %add3A_470 : i32 to index
      %get3A_489 = arith.index_cast %add3A_487 : i32 to index
      %get3A_490 = tpu.vector_load %arg15[%get3A_488, %get3A_489] {strides = array<i32>} : memref<256x128xf32, #tpu.memory_space<vmem>>, vector<16xf32>,
      %get3A_491 = arith.index_cast %add3A_470 : i32 to index
      %get3A_492 = arith.index_cast %mul3A_482 : i32 to index
      %get3A_493 = tpu.vector_load %arg16[%get3A_491, %get3A_492] {strides = array<i32>} : memref<256x128xf32, #tpu.memory_space<vmem>>, vector<16xf32>,
      %add3A_494 = arith.constant 16 : i32
      %add3A_495 = arith.addi %mul3A_482, %add3A_494 : i32
      %get3A_496 = arith.index_cast %add3A_470 : i32 to index
      %get3A_497 = arith.index_cast %add3A_495 : i32 to index
      %get3A_498 = tpu.vector_load %arg16[%get3A_496, %get3A_497] {strides = array<i32>} : memref<256x128xf32, #tpu.memory_space<vmem>>, vector<16xf32>,
      %add3A_499 = arith.constant 11 : i32
      %add3A_500 = vector.broadcast %add3A_499 : i32 to vector<16xi32>
      %add3A_501 = arith.addi %get3A_6, %add3A_500 : vector<16xi32>
      %mul3A_502 = arith.mulf %get3A_485, %get3A_493 : vector<16xf32>
      %mul3A_503 = arith.mulf %get3A_490, %get3A_498 : vector<16xf32>
      %add3A_504 = arith.addf %mul3A_502, %mul3A_503 : vector<16xf32>
      tpu.vector_store_idx %arg22[%add3A_501], %add3A_504 : memref<256xf32, #tpu.memory_space<vmem>>[vector<16xi32>], vector<16xf32>,
      %add3A_505 = arith.constant 12 : i32
      %add3A_506 = arith.addi %multiple_of3A, %add3A_505 : i32
      %slice3A_507 = vector.extract_strided_slice %get3A_71 {offsets = [12], sizes = [1], strides = [1]} : vector<16xi32> to vector<1xi32>
      %squeeze3A_508 = vector.extract %slice3A_507[0] : i32 from vector<1xi32>
      %and3A_509 = arith.constant 3 : i32
      %and3A_510 = arith.andi %squeeze3A_508, %and3A_509 : i32
      %mul3A_511 = arith.constant 32 : i32
      %mul3A_512 = arith.muli %and3A_510, %mul3A_511 : i32
      %slice3A_513 = vector.extract_strided_slice %get3A_75 {offsets = [12], sizes = [1], strides = [1]} : vector<16xi32> to vector<1xi32>
      %squeeze3A_514 = vector.extract %slice3A_513[0] : i32 from vector<1xi32>
      %and3A_515 = arith.constant 3 : i32
      %and3A_516 = arith.andi %squeeze3A_514, %and3A_515 : i32
      %mul3A_517 = arith.constant 32 : i32
      %mul3A_518 = arith.muli %and3A_516, %mul3A_517 : i32
      %get3A_519 = arith.index_cast %add3A_506 : i32 to index
      %get3A_520 = arith.index_cast %mul3A_512 : i32 to index
      %get3A_521 = tpu.vector_load %arg15[%get3A_519, %get3A_520] {strides = array<i32>} : memref<256x128xf32, #tpu.memory_space<vmem>>, vector<16xf32>,
      %add3A_522 = arith.constant 16 : i32
      %add3A_523 = arith.addi %mul3A_512, %add3A_522 : i32
      %get3A_524 = arith.index_cast %add3A_506 : i32 to index
      %get3A_525 = arith.index_cast %add3A_523 : i32 to index
      %get3A_526 = tpu.vector_load %arg15[%get3A_524, %get3A_525] {strides = array<i32>} : memref<256x128xf32, #tpu.memory_space<vmem>>, vector<16xf32>,
      %get3A_527 = arith.index_cast %add3A_506 : i32 to index
      %get3A_528 = arith.index_cast %mul3A_518 : i32 to index
      %get3A_529 = tpu.vector_load %arg16[%get3A_527, %get3A_528] {strides = array<i32>} : memref<256x128xf32, #tpu.memory_space<vmem>>, vector<16xf32>,
      %add3A_530 = arith.constant 16 : i32
      %add3A_531 = arith.addi %mul3A_518, %add3A_530 : i32
      %get3A_532 = arith.index_cast %add3A_506 : i32 to index
      %get3A_533 = arith.index_cast %add3A_531 : i32 to index
      %get3A_534 = tpu.vector_load %arg16[%get3A_532, %get3A_533] {strides = array<i32>} : memref<256x128xf32, #tpu.memory_space<vmem>>, vector<16xf32>,
      %add3A_535 = arith.constant 12 : i32
      %add3A_536 = vector.broadcast %add3A_535 : i32 to vector<16xi32>
      %add3A_537 = arith.addi %get3A_6, %add3A_536 : vector<16xi32>
      %mul3A_538 = arith.mulf %get3A_521, %get3A_529 : vector<16xf32>
      %mul3A_539 = arith.mulf %get3A_526, %get3A_534 : vector<16xf32>
      %add3A_540 = arith.addf %mul3A_538, %mul3A_539 : vector<16xf32>
      tpu.vector_store_idx %arg22[%add3A_537], %add3A_540 : memref<256xf32, #tpu.memory_space<vmem>>[vector<16xi32>], vector<16xf32>,
      %add3A_541 = arith.constant 13 : i32
      %add3A_542 = arith.addi %multiple_of3A, %add3A_541 : i32
      %slice3A_543 = vector.extract_strided_slice %get3A_71 {offsets = [13], sizes = [1], strides = [1]} : vector<16xi32> to vector<1xi32>
      %squeeze3A_544 = vector.extract %slice3A_543[0] : i32 from vector<1xi32>
      %and3A_545 = arith.constant 3 : i32
      %and3A_546 = arith.andi %squeeze3A_544, %and3A_545 : i32
      %mul3A_547 = arith.constant 32 : i32
      %mul3A_548 = arith.muli %and3A_546, %mul3A_547 : i32
      %slice3A_549 = vector.extract_strided_slice %get3A_75 {offsets = [13], sizes = [1], strides = [1]} : vector<16xi32> to vector<1xi32>
      %squeeze3A_550 = vector.extract %slice3A_549[0] : i32 from vector<1xi32>
      %and3A_551 = arith.constant 3 : i32
      %and3A_552 = arith.andi %squeeze3A_550, %and3A_551 : i32
      %mul3A_553 = arith.constant 32 : i32
      %mul3A_554 = arith.muli %and3A_552, %mul3A_553 : i32
      %get3A_555 = arith.index_cast %add3A_542 : i32 to index
      %get3A_556 = arith.index_cast %mul3A_548 : i32 to index
      %get3A_557 = tpu.vector_load %arg15[%get3A_555, %get3A_556] {strides = array<i32>} : memref<256x128xf32, #tpu.memory_space<vmem>>, vector<16xf32>,
      %add3A_558 = arith.constant 16 : i32
      %add3A_559 = arith.addi %mul3A_548, %add3A_558 : i32
      %get3A_560 = arith.index_cast %add3A_542 : i32 to index
      %get3A_561 = arith.index_cast %add3A_559 : i32 to index
      %get3A_562 = tpu.vector_load %arg15[%get3A_560, %get3A_561] {strides = array<i32>} : memref<256x128xf32, #tpu.memory_space<vmem>>, vector<16xf32>,
      %get3A_563 = arith.index_cast %add3A_542 : i32 to index
      %get3A_564 = arith.index_cast %mul3A_554 : i32 to index
      %get3A_565 = tpu.vector_load %arg16[%get3A_563, %get3A_564] {strides = array<i32>} : memref<256x128xf32, #tpu.memory_space<vmem>>, vector<16xf32>,
      %add3A_566 = arith.constant 16 : i32
      %add3A_567 = arith.addi %mul3A_554, %add3A_566 : i32
      %get3A_568 = arith.index_cast %add3A_542 : i32 to index
      %get3A_569 = arith.index_cast %add3A_567 : i32 to index
      %get3A_570 = tpu.vector_load %arg16[%get3A_568, %get3A_569] {strides = array<i32>} : memref<256x128xf32, #tpu.memory_space<vmem>>, vector<16xf32>,
      %add3A_571 = arith.constant 13 : i32
      %add3A_572 = vector.broadcast %add3A_571 : i32 to vector<16xi32>
      %add3A_573 = arith.addi %get3A_6, %add3A_572 : vector<16xi32>
      %mul3A_574 = arith.mulf %get3A_557, %get3A_565 : vector<16xf32>
      %mul3A_575 = arith.mulf %get3A_562, %get3A_570 : vector<16xf32>
      %add3A_576 = arith.addf %mul3A_574, %mul3A_575 : vector<16xf32>
      tpu.vector_store_idx %arg22[%add3A_573], %add3A_576 : memref<256xf32, #tpu.memory_space<vmem>>[vector<16xi32>], vector<16xf32>,
      %add3A_577 = arith.constant 14 : i32
      %add3A_578 = arith.addi %multiple_of3A, %add3A_577 : i32
      %slice3A_579 = vector.extract_strided_slice %get3A_71 {offsets = [14], sizes = [1], strides = [1]} : vector<16xi32> to vector<1xi32>
      %squeeze3A_580 = vector.extract %slice3A_579[0] : i32 from vector<1xi32>
      %and3A_581 = arith.constant 3 : i32
      %and3A_582 = arith.andi %squeeze3A_580, %and3A_581 : i32
      %mul3A_583 = arith.constant 32 : i32
      %mul3A_584 = arith.muli %and3A_582, %mul3A_583 : i32
      %slice3A_585 = vector.extract_strided_slice %get3A_75 {offsets = [14], sizes = [1], strides = [1]} : vector<16xi32> to vector<1xi32>
      %squeeze3A_586 = vector.extract %slice3A_585[0] : i32 from vector<1xi32>
      %and3A_587 = arith.constant 3 : i32
      %and3A_588 = arith.andi %squeeze3A_586, %and3A_587 : i32
      %mul3A_589 = arith.constant 32 : i32
      %mul3A_590 = arith.muli %and3A_588, %mul3A_589 : i32
      %get3A_591 = arith.index_cast %add3A_578 : i32 to index
      %get3A_592 = arith.index_cast %mul3A_584 : i32 to index
      %get3A_593 = tpu.vector_load %arg15[%get3A_591, %get3A_592] {strides = array<i32>} : memref<256x128xf32, #tpu.memory_space<vmem>>, vector<16xf32>,
      %add3A_594 = arith.constant 16 : i32
      %add3A_595 = arith.addi %mul3A_584, %add3A_594 : i32
      %get3A_596 = arith.index_cast %add3A_578 : i32 to index
      %get3A_597 = arith.index_cast %add3A_595 : i32 to index
      %get3A_598 = tpu.vector_load %arg15[%get3A_596, %get3A_597] {strides = array<i32>} : memref<256x128xf32, #tpu.memory_space<vmem>>, vector<16xf32>,
      %get3A_599 = arith.index_cast %add3A_578 : i32 to index
      %get3A_600 = arith.index_cast %mul3A_590 : i32 to index
      %get3A_601 = tpu.vector_load %arg16[%get3A_599, %get3A_600] {strides = array<i32>} : memref<256x128xf32, #tpu.memory_space<vmem>>, vector<16xf32>,
      %add3A_602 = arith.constant 16 : i32
      %add3A_603 = arith.addi %mul3A_590, %add3A_602 : i32
      %get3A_604 = arith.index_cast %add3A_578 : i32 to index
      %get3A_605 = arith.index_cast %add3A_603 : i32 to index
      %get3A_606 = tpu.vector_load %arg16[%get3A_604, %get3A_605] {strides = array<i32>} : memref<256x128xf32, #tpu.memory_space<vmem>>, vector<16xf32>,
      %add3A_607 = arith.constant 14 : i32
      %add3A_608 = vector.broadcast %add3A_607 : i32 to vector<16xi32>
      %add3A_609 = arith.addi %get3A_6, %add3A_608 : vector<16xi32>
      %mul3A_610 = arith.mulf %get3A_593, %get3A_601 : vector<16xf32>
      %mul3A_611 = arith.mulf %get3A_598, %get3A_606 : vector<16xf32>
      %add3A_612 = arith.addf %mul3A_610, %mul3A_611 : vector<16xf32>
      tpu.vector_store_idx %arg22[%add3A_609], %add3A_612 : memref<256xf32, #tpu.memory_space<vmem>>[vector<16xi32>], vector<16xf32>,
      %add3A_613 = arith.constant 15 : i32
      %add3A_614 = arith.addi %multiple_of3A, %add3A_613 : i32
      %slice3A_615 = vector.extract_strided_slice %get3A_71 {offsets = [15], sizes = [1], strides = [1]} : vector<16xi32> to vector<1xi32>
      %squeeze3A_616 = vector.extract %slice3A_615[0] : i32 from vector<1xi32>
      %and3A_617 = arith.constant 3 : i32
      %and3A_618 = arith.andi %squeeze3A_616, %and3A_617 : i32
      %mul3A_619 = arith.constant 32 : i32
      %mul3A_620 = arith.muli %and3A_618, %mul3A_619 : i32
      %slice3A_621 = vector.extract_strided_slice %get3A_75 {offsets = [15], sizes = [1], strides = [1]} : vector<16xi32> to vector<1xi32>
      %squeeze3A_622 = vector.extract %slice3A_621[0] : i32 from vector<1xi32>
      %and3A_623 = arith.constant 3 : i32
      %and3A_624 = arith.andi %squeeze3A_622, %and3A_623 : i32
      %mul3A_625 = arith.constant 32 : i32
      %mul3A_626 = arith.muli %and3A_624, %mul3A_625 : i32
      %get3A_627 = arith.index_cast %add3A_614 : i32 to index
      %get3A_628 = arith.index_cast %mul3A_620 : i32 to index
      %get3A_629 = tpu.vector_load %arg15[%get3A_627, %get3A_628] {strides = array<i32>} : memref<256x128xf32, #tpu.memory_space<vmem>>, vector<16xf32>,
      %add3A_630 = arith.constant 16 : i32
      %add3A_631 = arith.addi %mul3A_620, %add3A_630 : i32
      %get3A_632 = arith.index_cast %add3A_614 : i32 to index
      %get3A_633 = arith.index_cast %add3A_631 : i32 to index
      %get3A_634 = tpu.vector_load %arg15[%get3A_632, %get3A_633] {strides = array<i32>} : memref<256x128xf32, #tpu.memory_space<vmem>>, vector<16xf32>,
      %get3A_635 = arith.index_cast %add3A_614 : i32 to index
      %get3A_636 = arith.index_cast %mul3A_626 : i32 to index
      %get3A_637 = tpu.vector_load %arg16[%get3A_635, %get3A_636] {strides = array<i32>} : memref<256x128xf32, #tpu.memory_space<vmem>>, vector<16xf32>,
      %add3A_638 = arith.constant 16 : i32
      %add3A_639 = arith.addi %mul3A_626, %add3A_638 : i32
      %get3A_640 = arith.index_cast %add3A_614 : i32 to index
      %get3A_641 = arith.index_cast %add3A_639 : i32 to index
      %get3A_642 = tpu.vector_load %arg16[%get3A_640, %get3A_641] {strides = array<i32>} : memref<256x128xf32, #tpu.memory_space<vmem>>, vector<16xf32>,
      %add3A_643 = arith.constant 15 : i32
      %add3A_644 = vector.broadcast %add3A_643 : i32 to vector<16xi32>
      %add3A_645 = arith.addi %get3A_6, %add3A_644 : vector<16xi32>
      %mul3A_646 = arith.mulf %get3A_629, %get3A_637 : vector<16xf32>
      %mul3A_647 = arith.mulf %get3A_634, %get3A_642 : vector<16xf32>
      %add3A_648 = arith.addf %mul3A_646, %mul3A_647 : vector<16xf32>
      tpu.vector_store_idx %arg22[%add3A_645], %add3A_648 : memref<256xf32, #tpu.memory_space<vmem>>[vector<16xi32>], vector<16xf32>,
      %get3A_649 = arith.constant 0 : index
      %get3A_650 = tpu.vector_load %arg22[%get3A_649] {strides = array<i32>} : memref<256xf32, #tpu.memory_space<vmem>>, vector<16xf32>,
      %get3A_651 = arith.constant 16 : index
      %get3A_652 = tpu.vector_load %arg22[%get3A_651] {strides = array<i32>} : memref<256xf32, #tpu.memory_space<vmem>>, vector<16xf32>,
      %add3A_653 = arith.addf %get3A_650, %get3A_652 : vector<16xf32>
      %get3A_654 = arith.constant 32 : index
      %get3A_655 = tpu.vector_load %arg22[%get3A_654] {strides = array<i32>} : memref<256xf32, #tpu.memory_space<vmem>>, vector<16xf32>,
      %add3A_656 = arith.addf %add3A_653, %get3A_655 : vector<16xf32>
      %get3A_657 = arith.constant 48 : index
      %get3A_658 = tpu.vector_load %arg22[%get3A_657] {strides = array<i32>} : memref<256xf32, #tpu.memory_space<vmem>>, vector<16xf32>,
      %add3A_659 = arith.addf %add3A_656, %get3A_658 : vector<16xf32>
      %get3A_660 = arith.constant 64 : index
      %get3A_661 = tpu.vector_load %arg22[%get3A_660] {strides = array<i32>} : memref<256xf32, #tpu.memory_space<vmem>>, vector<16xf32>,
      %add3A_662 = arith.addf %add3A_659, %get3A_661 : vector<16xf32>
      %get3A_663 = arith.constant 80 : index
      %get3A_664 = tpu.vector_load %arg22[%get3A_663] {strides = array<i32>} : memref<256xf32, #tpu.memory_space<vmem>>, vector<16xf32>,
      %add3A_665 = arith.addf %add3A_662, %get3A_664 : vector<16xf32>
      %get3A_666 = arith.constant 96 : index
      %get3A_667 = tpu.vector_load %arg22[%get3A_666] {strides = array<i32>} : memref<256xf32, #tpu.memory_space<vmem>>, vector<16xf32>,
      %add3A_668 = arith.addf %add3A_665, %get3A_667 : vector<16xf32>
      %get3A_669 = arith.constant 112 : index
      %get3A_670 = tpu.vector_load %arg22[%get3A_669] {strides = array<i32>} : memref<256xf32, #tpu.memory_space<vmem>>, vector<16xf32>,
      %add3A_671 = arith.addf %add3A_668, %get3A_670 : vector<16xf32>
      %get3A_672 = arith.constant 128 : index
      %get3A_673 = tpu.vector_load %arg22[%get3A_672] {strides = array<i32>} : memref<256xf32, #tpu.memory_space<vmem>>, vector<16xf32>,
      %add3A_674 = arith.addf %add3A_671, %get3A_673 : vector<16xf32>
      %get3A_675 = arith.constant 144 : index
      %get3A_676 = tpu.vector_load %arg22[%get3A_675] {strides = array<i32>} : memref<256xf32, #tpu.memory_space<vmem>>, vector<16xf32>,
      %add3A_677 = arith.addf %add3A_674, %get3A_676 : vector<16xf32>
      %get3A_678 = arith.constant 160 : index
      %get3A_679 = tpu.vector_load %arg22[%get3A_678] {strides = array<i32>} : memref<256xf32, #tpu.memory_space<vmem>>, vector<16xf32>,
      %add3A_680 = arith.addf %add3A_677, %get3A_679 : vector<16xf32>
      %get3A_681 = arith.constant 176 : index
      %get3A_682 = tpu.vector_load %arg22[%get3A_681] {strides = array<i32>} : memref<256xf32, #tpu.memory_space<vmem>>, vector<16xf32>,
      %add3A_683 = arith.addf %add3A_680, %get3A_682 : vector<16xf32>
      %get3A_684 = arith.constant 192 : index
      %get3A_685 = tpu.vector_load %arg22[%get3A_684] {strides = array<i32>} : memref<256xf32, #tpu.memory_space<vmem>>, vector<16xf32>,
      %add3A_686 = arith.addf %add3A_683, %get3A_685 : vector<16xf32>
      %get3A_687 = arith.constant 208 : index
      %get3A_688 = tpu.vector_load %arg22[%get3A_687] {strides = array<i32>} : memref<256xf32, #tpu.memory_space<vmem>>, vector<16xf32>,
      %add3A_689 = arith.addf %add3A_686, %get3A_688 : vector<16xf32>
      %get3A_690 = arith.constant 224 : index
      %get3A_691 = tpu.vector_load %arg22[%get3A_690] {strides = array<i32>} : memref<256xf32, #tpu.memory_space<vmem>>, vector<16xf32>,
      %add3A_692 = arith.addf %add3A_689, %get3A_691 : vector<16xf32>
      %get3A_693 = arith.constant 240 : index
      %get3A_694 = tpu.vector_load %arg22[%get3A_693] {strides = array<i32>} : memref<256xf32, #tpu.memory_space<vmem>>, vector<16xf32>,
      %add3A_695 = arith.addf %add3A_692, %get3A_694 : vector<16xf32>
      %add3A_696 = arith.constant 256 : i32
      %add3A_697 = arith.addi %add3A_696, %multiple_of3A : i32
      %swap3A = arith.index_cast %add3A_697 : i32 to index
      %swap3A_698 = tpu.vector_load %arg19[%swap3A] {strides = array<i32>} : memref<512xf32, #tpu.memory_space<vmem>>, vector<16xf32>,
      tpu.vector_store %arg19[%swap3A], %add3A_695 {strides = array<i32>} : memref<512xf32, #tpu.memory_space<vmem>>, vector<16xf32>,
    }
    %scan3A_52 = arith.constant 16 : i32
    %dma_wait3A_53 = arith.constant 0 : i32
    %dma_wait3A_54 = tpu.memref_slice %arg4[%dma_wait3A_53] : memref<1000000xf32, #tpu.memory_space<hbm>> -> memref<1000000xf32, #tpu.memory_space<hbm>>
    tpu.wait_indirect_dma semaphore(%arg23 : memref<!tpu.dma_semaphore, #tpu.memory_space<semaphore_mem>>) src(%dma_wait3A_54 : memref<1000000xf32, #tpu.memory_space<hbm>>) dst(%arg17 : memref<512xf32, #tpu.memory_space<vmem>>)
    %dma_wait3A_55 = arith.constant 0 : i32
    %dma_wait3A_56 = tpu.memref_slice %arg6[%dma_wait3A_55] : memref<1000000xf32, #tpu.memory_space<hbm>> -> memref<1000000xf32, #tpu.memory_space<hbm>>
    tpu.wait_indirect_dma semaphore(%arg23 : memref<!tpu.dma_semaphore, #tpu.memory_space<semaphore_mem>>) src(%dma_wait3A_56 : memref<1000000xf32, #tpu.memory_space<hbm>>) dst(%arg18 : memref<512xf32, #tpu.memory_space<vmem>>)
    %scan3A_57 = arith.constant 0 : i32
    %scan3A_58 = arith.constant 0 : i32
    %scan3A_59 = arith.constant 32 : i32
    %scan3A_60 = arith.addi %scan3A_58, %scan3A_59 : i32
    %scan3A_61 = arith.constant 1 : i32
    scf.for %scan3A_65 = %scan3A_58 to %scan3A_60 step %scan3A_61  : i32 {
      %mul3A_66 = arith.constant 16 : i32
      %mul3A_67 = arith.muli %scan3A_65, %mul3A_66 : i32
      %multiple_of3A = tpu.assume_multiple %mul3A_67, 16 : i32
      %get3A_68 = arith.index_cast %multiple_of3A : i32 to index
      %get3A_69 = tpu.vector_load %arg19[%get3A_68] {strides = array<i32>} : memref<512xf32, #tpu.memory_space<vmem>>, vector<16xf32>,
      %add3A_70 = arith.addf %get3A_69, %get3A_4 : vector<16xf32>
      %get3A_71 = arith.index_cast %multiple_of3A : i32 to index
      %get3A_72 = tpu.vector_load %arg17[%get3A_71] {strides = array<i32>} : memref<512xf32, #tpu.memory_space<vmem>>, vector<16xf32>,
      %add3A_73 = arith.addf %add3A_70, %get3A_72 : vector<16xf32>
      %get3A_74 = arith.index_cast %multiple_of3A : i32 to index
      %get3A_75 = tpu.vector_load %arg18[%get3A_74] {strides = array<i32>} : memref<512xf32, #tpu.memory_space<vmem>>, vector<16xf32>,
      %add3A_76 = arith.addf %add3A_73, %get3A_75 : vector<16xf32>
      %swap3A = arith.index_cast %multiple_of3A : i32 to index
      %swap3A_77 = tpu.vector_load %arg19[%swap3A] {strides = array<i32>} : memref<512xf32, #tpu.memory_space<vmem>>, vector<16xf32>,
      tpu.vector_store %arg19[%swap3A], %add3A_76 {strides = array<i32>} : memref<512xf32, #tpu.memory_space<vmem>>, vector<16xf32>,
    }
    %scan3A_62 = arith.constant 32 : i32
    %mul3A_63 = arith.constant 512 : i32
    %mul3A_64 = arith.muli %add3A, %mul3A_63 : i32
    "tpu.region"() ({
      %run_scoped3A = tpu.sem_alloc : memref<!tpu.dma_semaphore, #tpu.memory_space<semaphore_mem>>
      %dma_start3A_65 = tpu.memref_slice %arg10[%mul3A_64] : memref<16384xf32, #tpu.memory_space<hbm>> -> memref<512xf32, #tpu.memory_space<hbm>>
      %dma_start3A_66 = tpu.memref_slice %arg10[%mul3A_64] : memref<16384xf32, #tpu.memory_space<hbm>> -> memref<512xf32, #tpu.memory_space<hbm>>
      tpu.enqueue_dma source(%arg19 : memref<512xf32, #tpu.memory_space<vmem>>) target(%dma_start3A_66 : memref<512xf32, #tpu.memory_space<hbm>>) target_semaphore(%run_scoped3A : memref<!tpu.dma_semaphore, #tpu.memory_space<semaphore_mem>>)
      %dma_wait3A_67 = tpu.memref_slice %arg10[%mul3A_64] : memref<16384xf32, #tpu.memory_space<hbm>> -> memref<512xf32, #tpu.memory_space<hbm>>
      %dma_wait3A_68 = tpu.memref_slice %arg10[%mul3A_64] : memref<16384xf32, #tpu.memory_space<hbm>> -> memref<512xf32, #tpu.memory_space<hbm>>
      tpu.wait_dma2 semaphore(%run_scoped3A : memref<!tpu.dma_semaphore, #tpu.memory_space<semaphore_mem>>) src(%arg19 : memref<512xf32, #tpu.memory_space<vmem>>) dst(%dma_wait3A_68 : memref<512xf32, #tpu.memory_space<hbm>>)
      tpu.yield
    }) : () -> ()
    return
  }
}

</mosaic_0001>

<sc_bundles>
// kernel: _mf.3.cloned.1.call-start
scs
__scs_entry_jumppad:
0x0: {  	(pc) =	sbr.rel $0x88, $3  }
0x1: {  	(tag) =	ssettag $0x0;
	lr =	simm.s32 $0x1  }
0x2: {  	[smem:$0x3F99] =	sst lr;
	_ =	strace $0xD0000000  }
0x3: {  	_ = 	snop  }
0x4: {  	_ = 	snop  }
0x5: {  	_ = 	snop  }
0x6: {  	_ = 	snop  }
0x7: {  	_ = 	snop  }
__scs_overlays_trampoline_lowered:
0x8: {  	[smem:$0x3FA8] =	sst s0  }
0x9: {  	[smem:$0x3FA9] =	sst s1  }
0xa: {  	[smem:$0x3FAA] =	sst s2  }
0xb: {  	[smem:$0x3FAB] =	sst s3  }
0xc: {  	[smem:$0x3FAC] =	sst s4  }
0xd: {  	[smem:$0x3FAD] =	sst s5  }
0xe: {  	[smem:$0x3FAE] =	sst s6  }
0xf: {  	[smem:$0x3FAF] =	sst s7  }
0x10: {  	[smem:$0x3FB0] =	sst s8  }
0x11: {  	[smem:$0x3FB1] =	sst s9;
	s0 =	simm.s32 @!p0 $0x0  }
0x12: {  	s1 =	sld [smem:$0x3F97];
	s0 =	simm.s32 @p0 $0x1  }
0x13: {  	[smem:$0x3FB2] =	sst s0;
	s0 =	simm.s32 @!p1 $0x0  }
0x14: {  	s2 =	sld [smem:$0x3F96];
	s0 =	simm.s32 @p1 $0x1  }
0x15: {  	[smem:$0x3FB3] =	sst s0;
	s0 =	simm.s32 @!p2 $0x0  }
0x16: {  	s3 =	sld [smem:$0x3FDB];
	s0 =	simm.s32 @p2 $0x1  }
0x17: {  	s4 =	simm.s32 $0x1BF5;
	[smem:$0x3FB5] =	sst s0  }
0x18: {  	s0 =	sld [smem:$0x3F98];
	_ =	swait.ge [sflag:s4], $0x0  }
0x19: {  	s7 =	sld [smem:$0x3F99]  }
0x1a: {  	s8 =	sadd.s32 $0xFFFFE003, lr  }
0x1b: {  	s9 =	sadd.s32 $0xFFFFFEF7, lr;
	s5 =	simm.s32 $0xFFFFFFFF;
	p2 =	slt.u32 s8, $0xFFFFF086  }
0x1c: {  	p1 =	slt.u32 s9, $0xF7A;
	s5 =	simm.s32 @!p2 $0x0  }
0x1d: {  	s5 =	simm.s32 @p1 $0x1;
	p0 =	seq.s32 s7, s2  }
0x1e: {  	s7 =	smul.u32 @!p0 $0xF7A, s2;
	p2 =	seq.s32 @!p0 s5, $0x0  }
0x1f: {  	s9 =	smul.u32 $0xF7A, s1;
	s8 =	simm.s32 @!p0 $0x1BF5;
	p2 =	por !p2, p0  }
0x20: {  	[sflag:s8] =	ssyncset.s32 @!p0 $0xFFFFF086;
	s6 =	sadd.s32 @!p0 s3, s7;
	s7 =	simm.s32 @!p0 $0x108  }
0x21: {  	s3 =	sadd.s32 s3, s9;
	s6 =	sadd.s32 @!p0 $0x88, s6;
	s7 =	simm.s32 @p2 $0x1082  }
0x22: {  	[simem:s7], [sflag:s8] =	dma.local @!p0 [hbm:s6], $0xF7A  }
0x23: {  	s9 =	sor.u32 $0xD0000000, s2;
	s6 =	simm.s32 $0x108;
	_ =	swait.ge @!p0 [sflag:s8], $0x0  }
0x24: {  	s3 =	sadd.s32 $0x88, s3;
	s6 =	simm.s32 @!p1 $0x1082;
	[sflag:s4] =	ssyncset.s32 $0xFFFFF086  }
0x25: {  	[simem:s6], [sflag:s4] =	dma.local [hbm:s3], $0xF7A  }
0x26: {  	[smem:$0x3F99] =	sst s1;
	(tag) =	ssettag s2;
	_ =	strace s9  }
0x27: {  	s1 =	sld [smem:$0x3FA9]  }
0x28: {  	s2 =	sld [smem:$0x3FAA]  }
0x29: {  	s4 =	sld [smem:$0x3FAC]  }
0x2a: {  	p0 =	seq.s32 s5, $0x0;
	s5 =	sld [smem:$0x3FAD]  }
0x2b: {  	s6 =	sld [smem:$0x3FAE]  }
0x2c: {  	s7 =	sld [smem:$0x3FAF]  }
0x2d: {  	s3 =	simm.s32 $0x108;
	s8 =	sld [smem:$0x3FB0]  }
0x2e: {  	s3 =	simm.s32 @!p0 $0x1082;
	s9 =	sld [smem:$0x3FB1]  }
0x2f: {  	lr =	sadd.s32 s0, s3;
	s0 =	sld [smem:$0x3FA8]  }
0x30: {  	s3 =	sld [smem:$0x3FAB]  }
0x31: {  	[smem:$0x3FB4] =	sst s10  }
0x32: {  	s10 =	sld [smem:$0x3FB2];
	_ =	sdelay $0x3  }
0x33: {  	p0 =	seq.s32 s10, $0x1;
	s10 =	sld [smem:$0x3FB4];
	_ =	sdelay $0x3  }
0x34: {  	[smem:$0x3FB4] =	sst s10  }
0x35: {  	s10 =	sld [smem:$0x3FB3];
	_ =	sdelay $0x3  }
0x36: {  	p1 =	seq.s32 s10, $0x1;
	s10 =	sld [smem:$0x3FB4];
	_ =	sdelay $0x3  }
0x37: {  	[smem:$0x3FB4] =	sst s10  }
0x38: {  	s10 =	sld [smem:$0x3FB5]  }
0x39: {  	_ = 	snop;
	(pc) =	sbr.ind lr, $3  }
0x3a: {  	_ = 	snop  }
0x3b: {  	_ = 	snop  }
0x3c: {  	p2 =	seq.s32 s10, $0x1;
	s10 =	sld [smem:$0x3FB4]  }
0x3d: {  	_ =	shalt  }
0x3e: {  	_ =	shalt  }
0x3f: {  	_ =	shalt  }
0x40: {  	_ =	shalt  }
0x41: {  	_ =	shalt  }
0x42: {  	_ =	shalt  }
0x43: {  	_ =	shalt  }
0x44: {  	_ =	shalt  }
0x45: {  	_ =	shalt  }
0x46: {  	_ =	shalt  }
0x47: {  	_ =	shalt  }
0x48: {  	_ =	shalt  }
0x49: {  	_ =	shalt  }
0x4a: {  	_ =	shalt  }
0x4b: {  	_ =	shalt  }
0x4c: {  	_ =	shalt  }
0x4d: {  	_ =	shalt  }
0x4e: {  	_ =	shalt  }
0x4f: {  	_ =	shalt  }
0x50: {  	_ =	shalt  }
0x51: {  	_ =	shalt  }
0x52: {  	_ =	shalt  }
0x53: {  	_ =	shalt  }
0x54: {  	_ =	shalt  }
0x55: {  	_ =	shalt  }
0x56: {  	_ =	shalt  }
0x57: {  	_ =	shalt  }
0x58: {  	_ =	shalt  }
0x59: {  	_ =	shalt  }
0x5a: {  	_ =	shalt  }
0x5b: {  	_ =	shalt  }
0x5c: {  	_ =	shalt  }
0x5d: {  	_ =	shalt  }
0x5e: {  	_ =	shalt  }
0x5f: {  	_ =	shalt  }
0x60: {  	_ =	shalt  }
0x61: {  	_ =	shalt  }
0x62: {  	_ =	shalt  }
0x63: {  	_ =	shalt  }
0x64: {  	_ =	shalt  }
0x65: {  	_ =	shalt  }
0x66: {  	_ =	shalt  }
0x67: {  	_ =	shalt  }
0x68: {  	_ =	shalt  }
0x69: {  	_ =	shalt  }
0x6a: {  	_ =	shalt  }
0x6b: {  	_ =	shalt  }
0x6c: {  	_ =	shalt  }
0x6d: {  	_ =	shalt  }
0x6e: {  	_ =	shalt  }
0x6f: {  	_ =	shalt  }
0x70: {  	_ =	shalt  }
0x71: {  	_ =	shalt  }
0x72: {  	_ =	shalt  }
0x73: {  	_ =	shalt  }
0x74: {  	_ =	shalt  }
0x75: {  	_ =	shalt  }
0x76: {  	_ =	shalt  }
0x77: {  	_ =	shalt  }
0x78: {  	_ =	shalt  }
0x79: {  	_ =	shalt  }
0x7a: {  	_ =	shalt  }
0x7b: {  	_ =	shalt  }
0x7c: {  	_ =	shalt  }
0x7d: {  	_ =	shalt  }
0x7e: {  	_ =	shalt  }
0x7f: {  	_ =	shalt  }
0x80: {  	_ =	shalt  }
0x81: {  	_ =	shalt  }
0x82: {  	_ =	shalt  }
0x83: {  	_ =	shalt  }
0x84: {  	_ =	shalt  }
0x85: {  	_ =	shalt  }
0x86: {  	_ =	shalt  }
0x87: {  	_ =	shalt  }
.Lfunc_end0:
.L_simem_size_0:
called_computation_lowered:
.L_overlay_start_0:
0x88: {  	s2 =	sld [smem:$0x3FD9]  }
0x89: {  	s3 =	sld [smem:$0x3FFE];
	_ =	sdelay $0x1  }
0x8a: {  	s1 =	srdreg.scid  }
0x8b: {  	s0 =	sand.u32 $0x1, s1  }
0x8c: {  	s17 =	sshll.u32 s0, $0xA;
	s2 =	sadd.s32 s3, s2  }
0x8d: {  	s2 =	sadd.s32 s2, s17  }
0x8e: {  	[smem:$0x3FC0] =	sst s2  }
0x8f: {  	_ = 	snop  }
0x90: {  	s2 =	sld [smem:$0x3FC9]  }
0x91: {  	s18 =	sld [smem:$0x3FC8]  }
0x92: {  	s4 =	sld [smem:$0x3FC7]  }
0x93: {  	s5 =	sld [smem:$0x3FC5]  }
0x94: {  	s6 =	sld [smem:$0x3FC3]  }
0x95: {  	s7 =	sld [smem:$0x3FC2]  }
0x96: {  	s8 =	sld [smem:$0x3FD0];
	(tm) =	ssettm $0x1  }
0x97: {  	s9 =	sld [smem:$0x3FFB];
	_ =	sdelay $0x3  }
0x98: {  	_ =	strace s9  }
0x99: {  	s9 =	sld [smem:$0x3FFC];
	_ =	sdelay $0x3  }
0x9a: {  	_ =	strace s9  }
0x9b: {  	s9 =	sld [smem:$0x3FFD];
	_ =	sdelay $0x3  }
0x9c: {  	_ =	strace s9  }
0x9d: {  	_ =	strace $0x8FFFFFFF  }
0x9e: {  	s19 =	sld [smem:$0x3FDB];
	_ =	sdelay $0x1  }
0x9f: {  	s10 =	simm.s32 $_scs_section_size  }
0xa0: {  	s11 =	simm.s32 $_size__tile_overlayer_lowered;
	s12 =	simm.s32 $_tile_overlayer_lowered  }
0xa1: {  	s22 =	simm.s32 $0x1BFF;
	s21 =	sshll.u32 s12, $0x1;
	s9 =	sadd.s32 s10, s19  }
0xa2: {  	s13 =	simm.s32 $0x0;
	s20 =	sshll.u32 s11, $0x1;
	s11 =	sadd.s32 s21, s9  }
0xa3: {  	[timem:s13], [sflag:s22] =	dma.local [hbm:s11], s20  }
0xa4: {  	_ =	swait.ge [sflag:s22], s20  }
0xa5: {  	s10 =	ssub.s32 $0x0, s20;
	[sflag:s22] =	ssyncset.done $0x0  }
0xa6: {  	[sflag:s22] =	ssyncadd.s32 s10;
	_ =	sdelay $0x1  }
0xa7: {  	s23 =	simm.s32 $0x1B8B  }
0xa8: {  	_ =	swait.ge [sflag:s23], $0x1  }
0xa9: {  	[sflag:s23] =	ssyncset.done $0x0  }
0xaa: {  	s25 =	simm.s32 $0x1B8E;
	s24 =	sld [smem:$0x3FFE];
	[sflag:s23] =	ssyncadd.s32 $0xFFFFFFFF  }
0xab: {  	s26 =	simm.s32 $execute0_lowered;
	[smem:$0x3FD2] =	sst s25  }
0xac: {  	s11 =	sshll.u32 s26, $0x1;
	_ =	strace $0x80000046;
	[dreg:$0x1] =	wrdreg $0xFFFFFFFF  }
0xad: {  	s28 =	simm.s32 $_size_execute0_lowered;
	s9 =	sadd.s32 s9, s11;
	[dreg:$0x0] =	wrdreg $0x0  }
0xae: {  	s11 =	sshll.u32 s28, $0x1;
	[dreg:$0x2] =	wrdreg s9  }
0xaf: {  	[dreg:$0x3] =	wrdreg s11  }
0xb0: {  	[dreg:$0x4] =	wrdreg $0xC0  }
0xb1: {  	_ =	task [dreg:s13], $0x5FFFF  }
0xb2: {  	[dreg:$0x1] =	wrdreg $0xFFFFFFFF  }
0xb3: {  	[dreg:$0x0] =	wrdreg $0x60  }
0xb4: {  	[dreg:$0x2] =	wrdreg s2  }
0xb5: {  	[dreg:$0x3] =	wrdreg s18  }
0xb6: {  	[dreg:$0x4] =	wrdreg s4  }
0xb7: {  	[dreg:$0x5] =	wrdreg s24  }
0xb8: {  	[dreg:$0x6] =	wrdreg s5  }
0xb9: {  	[dreg:$0x7] =	wrdreg s6  }
0xba: {  	[dreg:$0x8] =	wrdreg s7  }
0xbb: {  	[dreg:$0x9] =	wrdreg s8  }
0xbc: {  	[dreg:$0xa] =	wrdreg $0x9  }
0xbd: {  	_ =	task.clear_ibuf [dreg:s13], $0xBFFFF;
	_ =	strace $0x90000046  }
0xbe: {  	s29 =	simm.s32 $0x9;
	_ =	strace $0x80000048  }
0xbf: {  	_ =	swait.ge [sflag:s29], $0x1  }
0xc0: {  	[sflag:s29] =	ssyncadd.s32 $0xFFFFFFFF  }
0xc1: {  	_ =	strace $0x90000048  }
0xc2: {  	_ =	sfence  }
0xc3: {  	s30 =	sld [smem:$0x0];
	_ =	sdelay $0x2  }
0xc4: {  	s31 =	sshll.u32 s1, $0xD;
	s1 =	sshrl.u32 s1, $0x2  }
0xc5: {  	s3 =	sand.u32 $0x4000, s31;
	s1 =	sadd.s32 s1, s30  }
0xc6: {  	s0 =	sor.u32 s3, s0;
	s1 =	sshll.u32 s1, $0x11  }
0xc7: {  	s0 =	sor.u32 s1, s0  }
0xc8: {  	s0 =	sadd.s32 $0x8F2B, s0  }
0xc9: {  	[sflag:s0] =	ssyncadd.remote.s32 $0x1  }
0xca: {  	_ =	sfence.sel $0xFFFF  }
0xcb: {  	[dreg:$0x0] =	wrdreg $0xFFFFFFFF;
	(pc) =	sbr.abs _section_cstart, $3  }
0xcc: {  	[dreg:$0x1] =	wrdreg $0xFFFFFFFF  }
0xcd: {  	_ =	task.clear_ibuf [dreg:s13], $0x2FFFF;
	_ =	strace $0x9FFFFFFF  }
0xce: {  	(tm) =	ssettm $0x7FFFFFFF  }
0xcf: {  	_ =	shalt  }
tec
execute0_lowered:
.L_overlay_start_1:
0x0: {  	(tag) =	ssettag $0x1  }
0x1: {  	s0 =	rddreg [dreg:$0x0]  }
0x2: {  	s1 =	rddreg [dreg:$0x1]  }
0x3: {  	s2 =	rddreg [dreg:$0x3]  }
0x4: {  	s3 =	rddreg [dreg:$0x7];
	s9 =	simm.s32 $0x0;
	s4 =	srdreg.scid  }
0x5: {  	s6 =	stileid.u32;
	[smem:$0x7FF] =	sst s9;
	s4 =	sand.u32 $0x1, s4  }
0x6: {  	s5 =	sshll.u32 s6, $0x1;
	s6 =	sshll.u32 s6, $0x7;
	s8 =	sadd.s32 $0xF42800, s2  }
0x7: {  	s2 =	sadd.s32 $0x1313200, s2;
	s5 =	sor.u32 s4, s5;
	s4 =	ssub.s32 $0x2, s4  }
0x8: {  	_ =	strace $0x80000047;
	s7 =	sshll.u32 s5, $0x4;
	s25 =	sshrl.u32 s4, $0x1  }
0x9: {  	[dreg:$0xf] =	wrdreg s8;
	s6 =	sor.u32 s6, s7;
	s26 =	ssub.s32 s4, s25  }
0xa: {  	[dreg:$0x10] =	wrdreg s2;
	s28 =	sand.u32 $0x670, s6;
	s31 =	smax.u32 s26, $0x1  }
0xb: {  	s0 =	sadd.s32 s0, s28;
	[dreg:$0x14] =	wrdreg s31  }
0xc: {  	s30 =	sshll.u32 s5, $0x6;
	s29 =	sadd.s32 s1, s28;
	[dreg:$0x11] =	wrdreg s0  }
0xd: {  	s26 =	simm.s32 $0x10D00;
	[dreg:$0x12] =	wrdreg s29;
	s0 =	sadd.s32 s3, s30  }
0xe: {  	s1 =	simm.s32 $0x0;
	s3 =	simm.s32 $0x2;
	[dreg:$0x13] =	wrdreg s0  }
.LBB2_1:
0xf: {  	[dreg:$0x15] =	wrdreg s1  }
0x10: {  	s0 =	rddreg [dreg:$0x11];
	s20 =	simm.s32 $0x80;
	s2 =	simm.s32 $0x400  }
0x11: {  	[tilespmem:s9], [sflag:$0x2] =	stream.strided.gather [hbm4b:s0+s20], $0x200, s2, s20, $0x38;
	[tilespmem:$0x10E00] =	vst v63  }
0x12: {  	_ =	swait.ge [sflag:s3], $0x200  }
0x13: {  	[sflag:s3] =	ssyncset.done $0x0  }
0x14: {  	s4 =	simm.s32 $0x200;
	s21 =	rddreg [dreg:$0x12];
	[sflag:s3] =	ssyncadd.s32 $0xFFFFFE00  }
0x15: {  	[tilespmem:s4], [sflag:$0x2] =	stream.strided.gather [hbm4b:s21+s20], $0x200, s2, s20, $0x38;
	[tilespmem:$0x10E00] =	vst v63  }
0x16: {  	_ =	swait.ge [sflag:s3], $0x200  }
0x17: {  	[sflag:s3] =	ssyncset.done $0x0  }
0x18: {  	[sflag:s3] =	ssyncadd.s32 $0xFFFFFE00  }
0x19: {  	s23 =	simm.s32 $0x10C00;
	s22 =	rddreg [dreg:$0x5]  }
0x1a: {  	[tilespmem:s23], [sflag:$0x2] =	stream.linear.gather [hbm4b:s22+s9], $0x80, $0x38;
	[tilespmem:$0x10E00] =	vst v63  }
0x1b: {  	_ =	swait.ge [sflag:s3], $0x80  }
0x1c: {  	[sflag:s3] =	ssyncset.done $0x0  }
0x1d: {  	[sflag:s3] =	ssyncadd.s32 $0xFFFFFF80  }
0x1e: {  	s25 =	simm.s32 $0x10C80;
	s24 =	rddreg [dreg:$0x6]  }
0x1f: {  	[tilespmem:s25], [sflag:$0x2] =	stream.linear.gather [hbm4b:s24+s9], $0x80, $0x38;
	[tilespmem:$0x10E00] =	vst v63  }
0x20: {  	_ =	swait.ge [sflag:s3], $0x80  }
0x21: {  	[sflag:s3] =	ssyncset.done $0x0  }
0x22: {  	[sflag:s3] =	ssyncadd.s32 $0xFFFFFF80  }
0x23: {  	s29 =	simm.s32 $0x10600;
	s28 =	rddreg [dreg:$0x2]  }
0x24: {  	[tilespmem:s29], [sflag:$0x1] =	stream.indirect.gather [hbm4b:s28+s4], $0x1, s9, s4, $0xb8;
	[tilespmem:$0x10E00] =	vst v63  }
0x25: {  	s31 =	simm.s32 $0x10800;
	s30 =	rddreg [dreg:$0x4]  }
0x26: {  	[tilespmem:s31], [sflag:$0x1] =	stream.indirect.gather [hbm4b:s30+s4], $0x1, s4, s4, $0xb8;
	[tilespmem:$0x10E00] =	vst v63  }
0x27: {  	v0 =	vld [tilespmem:$0x10C00]  }
0x28: {  	s0 =	simm.s32 $0x0;
	v1 =	vld [tilespmem:$0x10C80]  }
0x29: {  	v2 =	vld [tilespmem:s0+$0x200]  }
0x2a: {  	s1 =	simm.s32 $0x40;
	v3 =	vld [tilespmem:s0+$0x0]  }
.LBB2_2:
0x2b: {  	p0 =	sne.s32 s1, $0x3C0  }
.Ltmp0:
0x2c: {  	_ = 	snop;
	(pc) =	sbr.rel @p0 .LBB2_2-.Ltmp0, $4  }
0x2d: {  	_ = 	snop  }
0x2e: {  	s2 =	sshra.s32 s1, $0x2;
	s1 =	sadd.s32 $0x40, s1;
	v4 =	vshrl.u32 v2, $0x2  }
0x2f: {  	v2 =	vld [tilespmem:s2+$0x200];
	v5 =	vshrl.u32 v3, $0x2;
	[tilespmem:s0+$0x500] =	vst v4  }
0x30: {  	v3 =	vld [tilespmem:s2+$0x0];
	[tilespmem:s0+$0x400] =	vst v5;
	s0 =	smov.u32 s2  }
0x31: {  	_ =	sdelay $0x2  }
0x32: {  	v2 =	vshrl.u32 v2, $0x2  }
0x33: {  	s11 =	rddreg [dreg:$0xf];
	s1 =	simm.s32 $0x400;
	v3 =	vshrl.u32 v3, $0x2;
	[tilespmem:s0+$0x500] =	vst v2  }
0x34: {  	s2 =	simm.s32 $0x100;
	s3 =	simm.s32 $0x600;
	s12 =	rddreg [dreg:$0x10];
	[tilespmem:s0+$0x400] =	vst v3  }
0x35: {  	[tilespmem:s3], [sflag:$0x1] =	stream.indirect.gather [hbm4b:s11+s2], $0x80, s1, s2, $0xb8;
	[tilespmem:$0x10E00] =	vst v63  }
0x36: {  	s13 =	simm.s32 $0x500;
	s14 =	simm.s32 $0x8600;
	s15 =	simm.s32 $0x1  }
0x37: {  	[tilespmem:s14], [sflag:$0x1] =	stream.indirect.gather [hbm4b:s12+s2], $0x80, s13, s2, $0xb8;
	[tilespmem:$0x10E00] =	vst v63  }
0x38: {  	_ =	swait.ge [sflag:s15], $0x8000  }
0x39: {  	[sflag:s15] =	ssyncset.done $0x0  }
0x3a: {  	[sflag:s15] =	ssyncadd.s32 $0xFFFF8000  }
0x3b: {  	_ =	swait.ge [sflag:s15], $0x8000  }
0x3c: {  	[sflag:s15] =	ssyncset.done $0x0  }
0x3d: {  	s19 =	simm.s32 $0x0;
	[sflag:s15] =	ssyncadd.s32 $0xFFFF8000  }
0x3e: {  	v14 =	vld [tilespmem:s19+$0x0]  }
0x3f: {  	s31 =	simm.s32 $0x200  }
0x40: {  	v15 =	vld [tilespmem:s31+$0x0];
	_ =	sdelay $0x2  }
0x41: {  	(v2sf) =	vpush v14, $0x0;
	_ =	sdelay $0x1  }
0x42: {  	(v2sf) =	vpush v15, $0x0;
	_ =	sdelay $0x9  }
0x43: {  	(v2sf) =	vpush v15, $0x1  }
0x44: {  	(v2sf) =	vpush v14, $0x1;
	_ =	sdelay $0x1  }
0x45: {  	s16 =	spop (v2sf)  }
0x46: {  	s0 =	sand.u32 $0x3, s16  }
0x47: {  	s17 =	spop (v2sf);
	s0 =	sshll.u32 s0, $0x5  }
0x48: {  	s1 =	sand.u32 $0x3, s17;
	s0 =	sadd.s32 $0x0, s0  }
0x49: {  	s1 =	sshll.u32 s1, $0x5;
	v2 =	vld [tilespmem:s0+$0x600]  }
0x4a: {  	s1 =	sadd.s32 $0x0, s1;
	v3 =	vld [tilespmem:s0+$0x610]  }
0x4b: {  	v4 =	vld [tilespmem:s1+$0x8600]  }
0x4c: {  	v5 =	vld [tilespmem:s1+$0x8610];
	_ =	sdelay $0x3  }
0x4d: {  	(v2sf) =	vpush v14, $0x2  }
0x4e: {  	s18 =	spop (v2sf);
	v2 =	vmul.f32 v4, v2;
	v3 =	vmul.f32 v5, v3  }
0x4f: {  	(v2sf) =	vpush v15, $0x2;
	s20 =	spop (v2sf)  }
0x50: {  	s1 =	sand.u32 $0x3, s20;
	v2 =	vadd.f32 v3, v2  }
0x51: {  	s0 =	sand.u32 $0x3, s18;
	s1 =	sshll.u32 s1, $0x5  }
0x52: {  	s0 =	sshll.u32 s0, $0x5;
	s1 =	sadd.s32 $0x0, s1;
	[tilespmem:v1+s26+$0x0] =	vst.idx.msk $0xffff, v2  }
0x53: {  	s0 =	sadd.s32 $0x0, s0;
	v3 =	vld [tilespmem:s1+$0x680]  }
0x54: {  	v4 =	vld [tilespmem:s0+$0x8680]  }
0x55: {  	v5 =	vld [tilespmem:s0+$0x8690]  }
0x56: {  	v6 =	vld [tilespmem:s1+$0x690];
	_ =	sdelay $0x3  }
0x57: {  	(v2sf) =	vpush v14, $0x3;
	v2 =	vadd.s32 $0x1, v1  }
0x58: {  	v3 =	vmul.f32 v4, v3;
	v4 =	vmul.f32 v5, v6  }
0x59: {  	(v2sf) =	vpush v15, $0x3;
	s21 =	spop (v2sf)  }
0x5a: {  	s0 =	sand.u32 $0x3, s21;
	v3 =	vadd.f32 v4, v3  }
0x5b: {  	s22 =	spop (v2sf);
	s0 =	sshll.u32 s0, $0x5  }
0x5c: {  	s1 =	sand.u32 $0x3, s22;
	s0 =	sadd.s32 $0x0, s0;
	[tilespmem:v2+s26+$0x0] =	vst.idx.msk $0xffff, v3  }
0x5d: {  	s1 =	sshll.u32 s1, $0x5;
	v4 =	vld [tilespmem:s0+$0x700]  }
0x5e: {  	s23 =	sadd.s32 $0x0, s1;
	v5 =	vld [tilespmem:s0+$0x710]  }
0x5f: {  	v6 =	vld [tilespmem:s23+$0x8710]  }
0x60: {  	v7 =	vld [tilespmem:s23+$0x8700];
	_ =	sdelay $0x3  }
0x61: {  	(v2sf) =	vpush v14, $0x4;
	v3 =	vadd.s32 $0x2, v1  }
0x62: {  	(v2sf) =	vpush v15, $0x4;
	v5 =	vmul.f32 v6, v5;
	v4 =	vmul.f32 v7, v4  }
0x63: {  	s24 =	spop (v2sf)  }
0x64: {  	s0 =	sand.u32 $0x3, s24;
	v4 =	vadd.f32 v5, v4  }
0x65: {  	s25 =	spop (v2sf);
	s0 =	sshll.u32 s0, $0x5  }
0x66: {  	s1 =	sand.u32 $0x3, s25;
	s0 =	sadd.s32 $0x0, s0;
	[tilespmem:v3+s26+$0x0] =	vst.idx.msk $0xffff, v4  }
0x67: {  	s1 =	sshll.u32 s1, $0x5;
	v5 =	vld [tilespmem:s0+$0x780]  }
0x68: {  	s28 =	sadd.s32 $0x0, s1;
	v6 =	vld [tilespmem:s0+$0x790]  }
0x69: {  	v7 =	vld [tilespmem:s28+$0x8790]  }
0x6a: {  	v8 =	vld [tilespmem:s28+$0x8780];
	_ =	sdelay $0x3  }
0x6b: {  	(v2sf) =	vpush v14, $0x5;
	v4 =	vadd.s32 $0x3, v1  }
0x6c: {  	(v2sf) =	vpush v15, $0x5;
	v5 =	vmul.f32 v8, v5;
	v6 =	vmul.f32 v7, v6  }
0x6d: {  	s29 =	spop (v2sf)  }
0x6e: {  	s30 =	spop (v2sf);
	s0 =	sand.u32 $0x3, s29;
	v5 =	vadd.f32 v6, v5  }
0x6f: {  	s1 =	sand.u32 $0x3, s30;
	s0 =	sshll.u32 s0, $0x5  }
0x70: {  	s1 =	sshll.u32 s1, $0x5;
	s0 =	sadd.s32 $0x0, s0;
	[tilespmem:v4+s26+$0x0] =	vst.idx.msk $0xffff, v5  }
0x71: {  	s1 =	sadd.s32 $0x0, s1;
	v6 =	vld [tilespmem:s0+$0x810]  }
0x72: {  	v7 =	vld [tilespmem:s1+$0x8810]  }
0x73: {  	v8 =	vld [tilespmem:s0+$0x800]  }
0x74: {  	v9 =	vld [tilespmem:s1+$0x8800];
	_ =	sdelay $0x3  }
0x75: {  	(v2sf) =	vpush v14, $0x6;
	v5 =	vadd.s32 $0x4, v1  }
0x76: {  	(v2sf) =	vpush v15, $0x6;
	v6 =	vmul.f32 v7, v6;
	v7 =	vmul.f32 v9, v8  }
0x77: {  	s1 =	spop (v2sf)  }
0x78: {  	s0 =	sand.u32 $0x3, s1;
	s2 =	spop (v2sf);
	v6 =	vadd.f32 v6, v7  }
0x79: {  	s0 =	sshll.u32 s0, $0x5;
	s1 =	sand.u32 $0x3, s2  }
0x7a: {  	s1 =	sshll.u32 s1, $0x5;
	s0 =	sadd.s32 $0x0, s0;
	[tilespmem:v5+s26+$0x0] =	vst.idx.msk $0xffff, v6  }
0x7b: {  	s1 =	sadd.s32 $0x0, s1;
	v7 =	vld [tilespmem:s0+$0x890]  }
0x7c: {  	v8 =	vld [tilespmem:s1+$0x8890]  }
0x7d: {  	v9 =	vld [tilespmem:s0+$0x880]  }
0x7e: {  	v10 =	vld [tilespmem:s1+$0x8880];
	_ =	sdelay $0x3  }
0x7f: {  	(v2sf) =	vpush v14, $0x7;
	v6 =	vadd.s32 $0x5, v1  }
0x80: {  	(v2sf) =	vpush v15, $0x7;
	v7 =	vmul.f32 v8, v7;
	v8 =	vmul.f32 v10, v9  }
0x81: {  	s3 =	spop (v2sf)  }
0x82: {  	s4 =	spop (v2sf);
	s0 =	sand.u32 $0x3, s3;
	v7 =	vadd.f32 v7, v8  }
0x83: {  	s1 =	sand.u32 $0x3, s4;
	s0 =	sshll.u32 s0, $0x5  }
0x84: {  	s1 =	sshll.u32 s1, $0x5;
	s0 =	sadd.s32 $0x0, s0;
	[tilespmem:v6+s26+$0x0] =	vst.idx.msk $0xffff, v7  }
0x85: {  	s1 =	sadd.s32 $0x0, s1;
	v8 =	vld [tilespmem:s0+$0x910]  }
0x86: {  	v9 =	vld [tilespmem:s1+$0x8910]  }
0x87: {  	v10 =	vld [tilespmem:s0+$0x900]  }
0x88: {  	v11 =	vld [tilespmem:s1+$0x8900];
	_ =	sdelay $0x3  }
0x89: {  	(v2sf) =	vpush v14, $0x8;
	v7 =	vadd.s32 $0x6, v1  }
0x8a: {  	v8 =	vmul.f32 v9, v8;
	v9 =	vmul.f32 v11, v10  }
0x8b: {  	(v2sf) =	vpush v15, $0x8;
	s5 =	spop (v2sf)  }
0x8c: {  	s6 =	spop (v2sf);
	s0 =	sand.u32 $0x3, s5;
	v8 =	vadd.f32 v8, v9  }
0x8d: {  	s1 =	sand.u32 $0x3, s6;
	s0 =	sshll.u32 s0, $0x5  }
0x8e: {  	s1 =	sshll.u32 s1, $0x5;
	s0 =	sadd.s32 $0x0, s0;
	[tilespmem:v7+s26+$0x0] =	vst.idx.msk $0xffff, v8  }
0x8f: {  	s1 =	sadd.s32 $0x0, s1;
	v9 =	vld [tilespmem:s0+$0x980]  }
0x90: {  	v10 =	vld [tilespmem:s1+$0x8990]  }
0x91: {  	v11 =	vld [tilespmem:s1+$0x8980]  }
0x92: {  	v12 =	vld [tilespmem:s0+$0x990];
	_ =	sdelay $0x3  }
0x93: {  	(v2sf) =	vpush v14, $0x9;
	v8 =	vadd.s32 $0x7, v1  }
0x94: {  	(v2sf) =	vpush v15, $0x9;
	v9 =	vmul.f32 v11, v9;
	v10 =	vmul.f32 v10, v12  }
0x95: {  	s7 =	spop (v2sf)  }
0x96: {  	s0 =	sand.u32 $0x3, s7;
	v9 =	vadd.f32 v10, v9  }
0x97: {  	s8 =	spop (v2sf);
	s0 =	sshll.u32 s0, $0x5  }
0x98: {  	s1 =	sand.u32 $0x3, s8;
	s0 =	sadd.s32 $0x0, s0;
	[tilespmem:v8+s26+$0x0] =	vst.idx.msk $0xffff, v9  }
0x99: {  	s1 =	sshll.u32 s1, $0x5;
	v10 =	vld [tilespmem:s0+$0xA00]  }
0x9a: {  	s9 =	sadd.s32 $0x0, s1;
	v11 =	vld [tilespmem:s0+$0xA10]  }
0x9b: {  	v12 =	vld [tilespmem:s9+$0x8A10]  }
0x9c: {  	v13 =	vld [tilespmem:s9+$0x8A00];
	_ =	sdelay $0x3  }
0x9d: {  	(v2sf) =	vpush v14, $0xA;
	v9 =	vadd.s32 $0x8, v1  }
0x9e: {  	v10 =	vmul.f32 v13, v10;
	v11 =	vmul.f32 v12, v11  }
0x9f: {  	(v2sf) =	vpush v15, $0xA;
	s10 =	spop (v2sf)  }
0xa0: {  	s11 =	spop (v2sf);
	s0 =	sand.u32 $0x3, s10;
	v10 =	vadd.f32 v11, v10  }
0xa1: {  	s1 =	sand.u32 $0x3, s11;
	s0 =	sshll.u32 s0, $0x5  }
0xa2: {  	s1 =	sshll.u32 s1, $0x5;
	s0 =	sadd.s32 $0x0, s0;
	[tilespmem:v9+s26+$0x0] =	vst.idx.msk $0xffff, v10  }
0xa3: {  	s1 =	sadd.s32 $0x0, s1;
	v11 =	vld [tilespmem:s0+$0xA90]  }
0xa4: {  	v12 =	vld [tilespmem:s1+$0x8A90]  }
0xa5: {  	v13 =	vld [tilespmem:s0+$0xA80]  }
0xa6: {  	v16 =	vld [tilespmem:s1+$0x8A80];
	_ =	sdelay $0x3  }
0xa7: {  	(v2sf) =	vpush v14, $0xB;
	v10 =	vadd.s32 $0x9, v1  }
0xa8: {  	(v2sf) =	vpush v15, $0xB;
	v11 =	vmul.f32 v12, v11;
	v12 =	vmul.f32 v16, v13  }
0xa9: {  	s12 =	spop (v2sf)  }
0xaa: {  	s0 =	sand.u32 $0x3, s12;
	v11 =	vadd.f32 v11, v12  }
0xab: {  	s13 =	spop (v2sf);
	s0 =	sshll.u32 s0, $0x5  }
0xac: {  	s1 =	sand.u32 $0x3, s13;
	s0 =	sadd.s32 $0x0, s0;
	[tilespmem:v10+s26+$0x0] =	vst.idx.msk $0xffff, v11  }
0xad: {  	s1 =	sshll.u32 s1, $0x5;
	v12 =	vld [tilespmem:s0+$0xB00]  }
0xae: {  	s14 =	sadd.s32 $0x0, s1;
	v13 =	vld [tilespmem:s0+$0xB10]  }
0xaf: {  	v16 =	vld [tilespmem:s14+$0x8B10]  }
0xb0: {  	v17 =	vld [tilespmem:s14+$0x8B00];
	_ =	sdelay $0x3  }
0xb1: {  	(v2sf) =	vpush v14, $0xC;
	v11 =	vadd.s32 $0xA, v1  }
0xb2: {  	v12 =	vmul.f32 v17, v12;
	v13 =	vmul.f32 v16, v13  }
0xb3: {  	(v2sf) =	vpush v15, $0xC;
	s15 =	spop (v2sf)  }
0xb4: {  	s16 =	spop (v2sf);
	s0 =	sand.u32 $0x3, s15;
	v12 =	vadd.f32 v13, v12  }
0xb5: {  	s1 =	sand.u32 $0x3, s16;
	s0 =	sshll.u32 s0, $0x5  }
0xb6: {  	s1 =	sshll.u32 s1, $0x5;
	s0 =	sadd.s32 $0x0, s0;
	[tilespmem:v11+s26+$0x0] =	vst.idx.msk $0xffff, v12  }
0xb7: {  	s1 =	sadd.s32 $0x0, s1;
	v13 =	vld [tilespmem:s0+$0xB90]  }
0xb8: {  	v16 =	vld [tilespmem:s1+$0x8B90]  }
0xb9: {  	v17 =	vld [tilespmem:s0+$0xB80]  }
0xba: {  	v18 =	vld [tilespmem:s1+$0x8B80];
	_ =	sdelay $0x3  }
0xbb: {  	(v2sf) =	vpush v14, $0xD;
	v12 =	vadd.s32 $0xB, v1  }
0xbc: {  	(v2sf) =	vpush v15, $0xD;
	v13 =	vmul.f32 v16, v13;
	v16 =	vmul.f32 v18, v17  }
0xbd: {  	s17 =	spop (v2sf)  }
0xbe: {  	s0 =	sand.u32 $0x3, s17;
	v13 =	vadd.f32 v13, v16  }
0xbf: {  	s18 =	spop (v2sf);
	s0 =	sshll.u32 s0, $0x5  }
0xc0: {  	s1 =	sand.u32 $0x3, s18;
	s0 =	sadd.s32 $0x0, s0;
	[tilespmem:v12+s26+$0x0] =	vst.idx.msk $0xffff, v13  }
0xc1: {  	s1 =	sshll.u32 s1, $0x5;
	v16 =	vld [tilespmem:s0+$0xC00]  }
0xc2: {  	s20 =	sadd.s32 $0x0, s1;
	v17 =	vld [tilespmem:s0+$0xC10]  }
0xc3: {  	v18 =	vld [tilespmem:s20+$0x8C10]  }
0xc4: {  	v19 =	vld [tilespmem:s20+$0x8C00];
	_ =	sdelay $0x3  }
0xc5: {  	(v2sf) =	vpush v14, $0xE;
	v13 =	vadd.s32 $0xC, v1  }
0xc6: {  	v16 =	vmul.f32 v19, v16;
	v17 =	vmul.f32 v18, v17  }
0xc7: {  	(v2sf) =	vpush v15, $0xE;
	s21 =	spop (v2sf)  }
0xc8: {  	s22 =	spop (v2sf);
	s0 =	sand.u32 $0x3, s21;
	v16 =	vadd.f32 v17, v16  }
0xc9: {  	s1 =	sand.u32 $0x3, s22;
	s0 =	sshll.u32 s0, $0x5  }
0xca: {  	s1 =	sshll.u32 s1, $0x5;
	s0 =	sadd.s32 $0x0, s0;
	[tilespmem:v13+s26+$0x0] =	vst.idx.msk $0xffff, v16  }
0xcb: {  	s1 =	sadd.s32 $0x0, s1;
	v16 =	vld [tilespmem:s0+$0xC90]  }
0xcc: {  	v17 =	vld [tilespmem:s1+$0x8C90]  }
0xcd: {  	v18 =	vld [tilespmem:s0+$0xC80]  }
0xce: {  	v19 =	vld [tilespmem:s1+$0x8C80];
	_ =	sdelay $0x2  }
0xcf: {  	(v2sf) =	vpush v14, $0xF  }
0xd0: {  	v14 =	vadd.s32 $0xD, v1;
	(v2sf) =	vpush v15, $0xF  }
0xd1: {  	v15 =	vmul.f32 v17, v16;
	v16 =	vmul.f32 v19, v18  }
0xd2: {  	s23 =	spop (v2sf)  }
0xd3: {  	s0 =	sand.u32 $0x3, s23;
	v15 =	vadd.f32 v15, v16  }
0xd4: {  	s24 =	spop (v2sf);
	s0 =	sshll.u32 s0, $0x5  }
0xd5: {  	s1 =	sand.u32 $0x3, s24;
	s0 =	sadd.s32 $0x0, s0;
	[tilespmem:v14+s26+$0x0] =	vst.idx.msk $0xffff, v15  }
0xd6: {  	s1 =	sshll.u32 s1, $0x5;
	v16 =	vld [tilespmem:s0+$0xD00]  }
0xd7: {  	s25 =	sadd.s32 $0x0, s1;
	v17 =	vld [tilespmem:s0+$0xD10]  }
0xd8: {  	v18 =	vld [tilespmem:s25+$0x8D10]  }
0xd9: {  	v19 =	vld [tilespmem:s25+$0x8D00];
	_ =	sdelay $0x3  }
0xda: {  	v15 =	vadd.s32 $0xE, v1  }
0xdb: {  	s28 =	spop (v2sf);
	v16 =	vmul.f32 v19, v16;
	v17 =	vmul.f32 v18, v17  }
0xdc: {  	s29 =	spop (v2sf)  }
0xdd: {  	s4 =	simm.s32 $0x10A00;
	s30 =	sand.u32 $0x3, s29;
	s0 =	sand.u32 $0x3, s28;
	v17 =	vadd.f32 v17, v16  }
0xde: {  	s5 =	simm.s32 $0x10A00;
	s2 =	sshll.u32 s30, $0x5;
	s0 =	sshll.u32 s0, $0x5  }
0xdf: {  	s3 =	sadd.s32 $0x0, s2;
	s1 =	simm.s32 $0x2000;
	s2 =	sadd.s32 $0x0, s0;
	v16 =	vadd.s32 $0xF, v1;
	[tilespmem:v15+s26+$0x0] =	vst.idx.msk $0xffff, v17  }
.LBB2_4:
0xe0: {  	v17 =	vld [tilespmem:s2+$0xD90]  }
0xe1: {  	v18 =	vld [tilespmem:s3+$0x8D90]  }
0xe2: {  	v19 =	vld [tilespmem:s2+$0xD80]  }
0xe3: {  	v20 =	vld [tilespmem:s3+$0x8D80];
	_ =	sdelay $0x4  }
0xe4: {  	v17 =	vmul.f32 v18, v17;
	v18 =	vmul.f32 v20, v19;
	_ =	sdelay $0x1  }
0xe5: {  	v17 =	vadd.f32 v17, v18;
	_ =	sdelay $0x1  }
0xe6: {  	[tilespmem:v16+s26+$0x0] =	vst.idx.msk $0xffff, v17  }
0xe7: {  	v17 =	vld [tilespmem:$0x10D00]  }
0xe8: {  	v18 =	vld [tilespmem:$0x10D10];
	_ =	sdelay $0x1  }
0xe9: {  	v19 =	vld [tilespmem:$0x10D20];
	_ =	sdelay $0x1  }
0xea: {  	v42 =	vld [tilespmem:$0x10D30]  }
0xeb: {  	v17 =	vadd.f32 v18, v17  }
0xec: {  	v21 =	vld [tilespmem:$0x10D40]  }
0xed: {  	v17 =	vadd.f32 v19, v17  }
0xee: {  	v22 =	vld [tilespmem:$0x10D50]  }
0xef: {  	v17 =	vadd.f32 v42, v17  }
0xf0: {  	v18 =	vld [tilespmem:$0x10D60]  }
0xf1: {  	v17 =	vadd.f32 v21, v17  }
0xf2: {  	v23 =	vld [tilespmem:$0x10D70]  }
0xf3: {  	v17 =	vadd.f32 v22, v17  }
0xf4: {  	v19 =	vld [tilespmem:$0x10D80]  }
0xf5: {  	v17 =	vadd.f32 v18, v17  }
0xf6: {  	v24 =	vld [tilespmem:$0x10D90]  }
0xf7: {  	v17 =	vadd.f32 v23, v17  }
0xf8: {  	v43 =	vld [tilespmem:$0x10DA0]  }
0xf9: {  	v17 =	vadd.f32 v19, v17  }
0xfa: {  	v25 =	vld [tilespmem:$0x10DB0]  }
0xfb: {  	v17 =	vadd.f32 v24, v17  }
0xfc: {  	v44 =	vld [tilespmem:$0x10DC0]  }
0xfd: {  	v17 =	vadd.f32 v43, v17  }
0xfe: {  	v26 =	vld [tilespmem:$0x10DD0]  }
0xff: {  	v17 =	vadd.f32 v25, v17  }
0x100: {  	v45 =	vld [tilespmem:$0x10DE0]  }
0x101: {  	v17 =	vadd.f32 v44, v17  }
0x102: {  	v27 =	vld [tilespmem:$0x10DF0]  }
0x103: {  	v17 =	vadd.f32 v26, v17;
	_ =	sdelay $0x1  }
0x104: {  	v17 =	vadd.f32 v45, v17;
	_ =	sdelay $0x1  }
0x105: {  	v17 =	vadd.f32 v27, v17;
	_ =	sdelay $0x1  }
0x106: {  	s19 =	sadd.s32 $0x10, s19;
	[tilespmem:s4+$0x0] =	vst v17  }
0x107: {  	v18 =	vld [tilespmem:s19+$0x0]  }
0x108: {  	s31 =	sadd.s32 $0x10, s31  }
0x109: {  	v17 =	vld [tilespmem:s31+$0x0];
	_ =	sdelay $0x2  }
0x10a: {  	(v2sf) =	vpush v18, $0x0;
	_ =	sdelay $0x1  }
0x10b: {  	(v2sf) =	vpush v17, $0x0  }
0x10c: {  	(v2sf) =	vpush v17, $0x1;
	_ =	sdelay $0x1  }
0x10d: {  	(v2sf) =	vpush v18, $0x1;
	_ =	sdelay $0x1  }
0x10e: {  	(v2sf) =	vpush v18, $0x2  }
0x10f: {  	(v2sf) =	vpush v17, $0x2  }
0x110: {  	(v2sf) =	vpush v18, $0x3  }
0x111: {  	(v2sf) =	vpush v17, $0x3  }
0x112: {  	(v2sf) =	vpush v18, $0x4  }
0x113: {  	(v2sf) =	vpush v17, $0x4  }
0x114: {  	(v2sf) =	vpush v18, $0x5  }
0x115: {  	(v2sf) =	vpush v17, $0x5  }
0x116: {  	(v2sf) =	vpush v18, $0x6;
	s20 =	spop (v2sf)  }
0x117: {  	s0 =	smov.u32 s1;
	(v2sf) =	vpush v17, $0x6;
	s21 =	sand.u32 $0x3, s20  }
0x118: {  	s2 =	sshra.s32 s0, $0x2;
	s22 =	spop (v2sf);
	(v2sf) =	vpush v18, $0x7;
	s3 =	sshll.u32 s21, $0x5  }
0x119: {  	s0 =	sand.u32 $0x3, s22;
	s23 =	spop (v2sf);
	(v2sf) =	vpush v17, $0x7;
	s3 =	sadd.s32 s2, s3  }
0x11a: {  	s0 =	sshll.u32 s0, $0x5;
	(v2sf) =	vpush v18, $0x8;
	v19 =	vld [tilespmem:s3+$0x600]  }
0x11b: {  	s24 =	spop (v2sf);
	s0 =	sadd.s32 s2, s0;
	(v2sf) =	vpush v17, $0x8;
	v46 =	vld [tilespmem:s3+$0x610]  }
0x11c: {  	v47 =	vld [tilespmem:s0+$0x8600]  }
0x11d: {  	s28 =	spop (v2sf);
	(v2sf) =	vpush v18, $0x9;
	v48 =	vld [tilespmem:s0+$0x8610]  }
0x11e: {  	s30 =	spop (v2sf);
	(v2sf) =	vpush v17, $0x9  }
0x11f: {  	s5 =	sadd.s32 $0x10, s5;
	s6 =	spop (v2sf);
	(v2sf) =	vpush v18, $0xA  }
0x120: {  	s18 =	smov.u32 s5;
	s10 =	spop (v2sf);
	(v2sf) =	vpush v17, $0xA  }
0x121: {  	[dreg:$0x9] =	wrdreg s18;
	s9 =	sand.u32 $0x3, s6;
	s6 =	spop (v2sf);
	(v2sf) =	vpush v18, $0xB  }
0x122: {  	s4 =	sand.u32 $0x3, s23;
	s0 =	sshll.u32 s9, $0x5;
	s9 =	spop (v2sf);
	(v2sf) =	vpush v17, $0xB;
	v19 =	vmul.f32 v47, v19;
	v20 =	vmul.f32 v48, v46  }
0x123: {  	s7 =	sshll.u32 s4, $0x5;
	s25 =	sand.u32 $0x3, s24;
	s12 =	spop (v2sf);
	(v2sf) =	vpush v18, $0xC  }
0x124: {  	s8 =	sshll.u32 s25, $0x5;
	s4 =	sand.u32 $0x3, s30;
	s16 =	spop (v2sf);
	v19 =	vadd.f32 v20, v19  }
0x125: {  	s3 =	sshll.u32 s4, $0x5;
	s4 =	sand.u32 $0x3, s10;
	(v2sf) =	vpush v17, $0xC;
	s10 =	spop (v2sf)  }
0x126: {  	s21 =	sadd.s32 s2, s8;
	s11 =	sand.u32 $0x3, s9;
	(v2sf) =	vpush v18, $0xD;
	s18 =	spop (v2sf);
	[tilespmem:v1+s26+$0x0] =	vst.idx.msk $0xffff, v19  }
0x127: {  	s25 =	sshll.u32 s11, $0x5;
	s11 =	sadd.s32 s2, s7;
	(v2sf) =	vpush v17, $0xD;
	v19 =	vld [tilespmem:s21+$0x680];
	s22 =	spop (v2sf)  }
0x128: {  	s14 =	sand.u32 $0x3, s12;
	v49 =	vld [tilespmem:s11+$0x8680];
	(v2sf) =	vpush v18, $0xE;
	s12 =	spop (v2sf)  }
0x129: {  	s29 =	sand.u32 $0x3, s28;
	v50 =	vld [tilespmem:s11+$0x8690];
	s24 =	spop (v2sf);
	(v2sf) =	vpush v17, $0xE  }
0x12a: {  	s9 =	sand.u32 $0x3, s16;
	s17 =	sand.u32 $0x3, s10;
	s30 =	spop (v2sf);
	(v2sf) =	vpush v18, $0xF;
	v18 =	vld [tilespmem:s21+$0x690]  }
0x12b: {  	s13 =	sshll.u32 s29, $0x5;
	s29 =	sshll.u32 s9, $0x5;
	s7 =	sshll.u32 s17, $0x5  }
0x12c: {  	s20 =	sand.u32 $0x3, s18;
	s9 =	sand.u32 $0x3, s22;
	s17 =	spop (v2sf)  }
0x12d: {  	s8 =	sshll.u32 s20, $0x5;
	s16 =	sshll.u32 s9, $0x5;
	s20 =	spop (v2sf)  }
0x12e: {  	s23 =	sand.u32 $0x3, s12;
	s18 =	sand.u32 $0x3, s17;
	s17 =	spop (v2sf)  }
0x12f: {  	s28 =	sand.u32 $0x3, s24;
	(v2sf) =	vpush v17, $0xF;
	v17 =	vmul.f32 v49, v19;
	s9 =	sshll.u32 s18, $0x5;
	s18 =	spop (v2sf);
	v18 =	vmul.f32 v50, v18  }
0x130: {  	s11 =	sshll.u32 s28, $0x5;
	s12 =	sand.u32 $0x3, s30;
	s22 =	spop (v2sf)  }
0x131: {  	s10 =	sand.u32 $0x3, s20;
	s21 =	sand.u32 $0x3, s18;
	s30 =	spop (v2sf);
	v17 =	vadd.f32 v18, v17  }
0x132: {  	s24 =	sshll.u32 s21, $0x5;
	s28 =	sand.u32 $0x3, s22;
	s20 =	spop (v2sf)  }
0x133: {  	s21 =	sshll.u32 s28, $0x5;
	s28 =	sand.u32 $0x3, s20;
	s20 =	sadd.s32 s2, s13;
	[tilespmem:v2+s26+$0x0] =	vst.idx.msk $0xffff, v17  }
0x134: {  	v17 =	vld [tilespmem:s20+$0x700]  }
0x135: {  	s3 =	sadd.s32 s2, s3;
	v18 =	vld [tilespmem:s20+$0x710]  }
0x136: {  	v19 =	vld [tilespmem:s3+$0x8710]  }
0x137: {  	v51 =	vld [tilespmem:s3+$0x8700];
	_ =	sdelay $0x4  }
0x138: {  	v18 =	vmul.f32 v19, v18;
	v17 =	vmul.f32 v51, v17;
	_ =	sdelay $0x1  }
0x139: {  	v17 =	vadd.f32 v18, v17;
	_ =	sdelay $0x1  }
0x13a: {  	s0 =	sadd.s32 s2, s0;
	[tilespmem:v3+s26+$0x0] =	vst.idx.msk $0xffff, v17  }
0x13b: {  	s4 =	sshll.u32 s4, $0x5;
	v17 =	vld [tilespmem:s0+$0x780]  }
0x13c: {  	s4 =	sadd.s32 s2, s4;
	v18 =	vld [tilespmem:s0+$0x790]  }
0x13d: {  	s6 =	sand.u32 $0x3, s6;
	v19 =	vld [tilespmem:s4+$0x8790]  }
0x13e: {  	s15 =	sshll.u32 s6, $0x5;
	s6 =	sshll.u32 s14, $0x5;
	v52 =	vld [tilespmem:s4+$0x8780]  }
0x13f: {  	s17 =	sand.u32 $0x3, s17;
	s18 =	sand.u32 $0x3, s30;
	s30 =	spop (v2sf)  }
0x140: {  	s22 =	sshll.u32 s18, $0x5;
	s18 =	sand.u32 $0x3, s30;
	s30 =	spop (v2sf)  }
0x141: {  	s14 =	sshll.u32 s23, $0x5;
	s23 =	sshll.u32 s17, $0x5;
	s30 =	sand.u32 $0x3, s30  }
0x142: {  	s13 =	sshll.u32 s18, $0x5;
	s18 =	spop (v2sf);
	s17 =	sshll.u32 s30, $0x5  }
0x143: {  	[dreg:$0xd] =	wrdreg s17;
	s17 =	sand.u32 $0x3, s18;
	s30 =	spop (v2sf);
	v17 =	vmul.f32 v52, v17;
	v18 =	vmul.f32 v19, v18  }
0x144: {  	s20 =	sshll.u32 s17, $0x5;
	s18 =	sand.u32 $0x3, s30;
	s30 =	spop (v2sf)  }
0x145: {  	s17 =	sshll.u32 s18, $0x5;
	s18 =	sand.u32 $0x3, s30;
	s30 =	spop (v2sf);
	v17 =	vadd.f32 v18, v17  }
0x146: {  	s3 =	sand.u32 $0x3, s30;
	s30 =	spop (v2sf)  }
0x147: {  	s15 =	sadd.s32 s2, s15;
	s3 =	sshll.u32 s3, $0x5;
	s30 =	sand.u32 $0x3, s30;
	[tilespmem:v4+s26+$0x0] =	vst.idx.msk $0xffff, v17  }
0x148: {  	[dreg:$0xb] =	wrdreg s3;
	s3 =	sshll.u32 s30, $0x5;
	s30 =	sadd.s32 s2, s25;
	v17 =	vld [tilespmem:s15+$0x810]  }
0x149: {  	v18 =	vld [tilespmem:s30+$0x8810]  }
0x14a: {  	v19 =	vld [tilespmem:s15+$0x800]  }
0x14b: {  	v53 =	vld [tilespmem:s30+$0x8800];
	_ =	sdelay $0x4  }
0x14c: {  	v17 =	vmul.f32 v18, v17;
	v18 =	vmul.f32 v53, v19;
	_ =	sdelay $0x1  }
0x14d: {  	v17 =	vadd.f32 v17, v18;
	_ =	sdelay $0x1  }
0x14e: {  	s6 =	sadd.s32 s2, s6;
	[tilespmem:v5+s26+$0x0] =	vst.idx.msk $0xffff, v17  }
0x14f: {  	s15 =	sadd.s32 s2, s29;
	v17 =	vld [tilespmem:s6+$0x890]  }
0x150: {  	v18 =	vld [tilespmem:s15+$0x8890]  }
0x151: {  	v19 =	vld [tilespmem:s6+$0x880]  }
0x152: {  	v54 =	vld [tilespmem:s15+$0x8880];
	_ =	sdelay $0x4  }
0x153: {  	v17 =	vmul.f32 v18, v17;
	v18 =	vmul.f32 v54, v19;
	_ =	sdelay $0x1  }
0x154: {  	v17 =	vadd.f32 v17, v18;
	_ =	sdelay $0x1  }
0x155: {  	s25 =	sadd.s32 s2, s7;
	[tilespmem:v6+s26+$0x0] =	vst.idx.msk $0xffff, v17  }
0x156: {  	s29 =	sadd.s32 s2, s8;
	v17 =	vld [tilespmem:s25+$0x910]  }
0x157: {  	v18 =	vld [tilespmem:s29+$0x8910]  }
0x158: {  	v19 =	vld [tilespmem:s25+$0x900]  }
0x159: {  	v55 =	vld [tilespmem:s29+$0x8900];
	_ =	sdelay $0x4  }
0x15a: {  	v17 =	vmul.f32 v18, v17;
	v18 =	vmul.f32 v55, v19;
	_ =	sdelay $0x1  }
0x15b: {  	v17 =	vadd.f32 v17, v18;
	_ =	sdelay $0x1  }
0x15c: {  	s30 =	sadd.s32 s2, s16;
	[tilespmem:v7+s26+$0x0] =	vst.idx.msk $0xffff, v17  }
0x15d: {  	s6 =	sadd.s32 s2, s14;
	v17 =	vld [tilespmem:s30+$0x980]  }
0x15e: {  	v18 =	vld [tilespmem:s6+$0x8990]  }
0x15f: {  	v19 =	vld [tilespmem:s6+$0x8980]  }
0x160: {  	v56 =	vld [tilespmem:s30+$0x990];
	_ =	sdelay $0x4  }
0x161: {  	v17 =	vmul.f32 v19, v17;
	v18 =	vmul.f32 v18, v56;
	_ =	sdelay $0x1  }
0x162: {  	v17 =	vadd.f32 v18, v17;
	_ =	sdelay $0x1  }
0x163: {  	s7 =	sadd.s32 s2, s11;
	[tilespmem:v8+s26+$0x0] =	vst.idx.msk $0xffff, v17  }
0x164: {  	s12 =	sshll.u32 s12, $0x5;
	v17 =	vld [tilespmem:s7+$0xA00]  }
0x165: {  	s8 =	sadd.s32 s2, s12;
	v18 =	vld [tilespmem:s7+$0xA10]  }
0x166: {  	v19 =	vld [tilespmem:s8+$0x8A10]  }
0x167: {  	v57 =	vld [tilespmem:s8+$0x8A00];
	_ =	sdelay $0x4  }
0x168: {  	v17 =	vmul.f32 v57, v17;
	v18 =	vmul.f32 v19, v18;
	_ =	sdelay $0x1  }
0x169: {  	v17 =	vadd.f32 v18, v17;
	_ =	sdelay $0x1  }
0x16a: {  	s10 =	sshll.u32 s10, $0x5;
	s11 =	sadd.s32 s2, s9;
	[tilespmem:v9+s26+$0x0] =	vst.idx.msk $0xffff, v17  }
0x16b: {  	s12 =	sadd.s32 s2, s10;
	v17 =	vld [tilespmem:s11+$0xA90]  }
0x16c: {  	v18 =	vld [tilespmem:s12+$0x8A90]  }
0x16d: {  	v19 =	vld [tilespmem:s11+$0xA80]  }
0x16e: {  	v58 =	vld [tilespmem:s12+$0x8A80];
	_ =	sdelay $0x4  }
0x16f: {  	v17 =	vmul.f32 v18, v17;
	v18 =	vmul.f32 v58, v19;
	_ =	sdelay $0x1  }
0x170: {  	v17 =	vadd.f32 v17, v18;
	_ =	sdelay $0x1  }
0x171: {  	s14 =	sadd.s32 s2, s23;
	[tilespmem:v10+s26+$0x0] =	vst.idx.msk $0xffff, v17  }
0x172: {  	v17 =	vld [tilespmem:s14+$0xB00]  }
0x173: {  	s15 =	sadd.s32 s2, s24;
	v18 =	vld [tilespmem:s14+$0xB10]  }
0x174: {  	v19 =	vld [tilespmem:s15+$0x8B10]  }
0x175: {  	v59 =	vld [tilespmem:s15+$0x8B00];
	_ =	sdelay $0x4  }
0x176: {  	v17 =	vmul.f32 v59, v17;
	v18 =	vmul.f32 v19, v18;
	_ =	sdelay $0x1  }
0x177: {  	v17 =	vadd.f32 v18, v17;
	_ =	sdelay $0x1  }
0x178: {  	s16 =	sadd.s32 s2, s21;
	[tilespmem:v11+s26+$0x0] =	vst.idx.msk $0xffff, v17  }
0x179: {  	s21 =	sadd.s32 s2, s22;
	v17 =	vld [tilespmem:s16+$0xB90]  }
0x17a: {  	v18 =	vld [tilespmem:s21+$0x8B90]  }
0x17b: {  	v19 =	vld [tilespmem:s16+$0xB80]  }
0x17c: {  	v60 =	vld [tilespmem:s21+$0x8B80];
	_ =	sdelay $0x4  }
0x17d: {  	v17 =	vmul.f32 v18, v17;
	v18 =	vmul.f32 v60, v19;
	_ =	sdelay $0x1  }
0x17e: {  	v17 =	vadd.f32 v17, v18  }
0x17f: {  	s28 =	sshll.u32 s28, $0x5  }
0x180: {  	s22 =	sadd.s32 s2, s28;
	[tilespmem:v12+s26+$0x0] =	vst.idx.msk $0xffff, v17  }
0x181: {  	v17 =	vld [tilespmem:s22+$0xC00]  }
0x182: {  	s23 =	sadd.s32 s2, s13;
	v18 =	vld [tilespmem:s22+$0xC10]  }
0x183: {  	v19 =	vld [tilespmem:s23+$0x8C10]  }
0x184: {  	v61 =	vld [tilespmem:s23+$0x8C00];
	_ =	sdelay $0x4  }
0x185: {  	v17 =	vmul.f32 v61, v17;
	v18 =	vmul.f32 v19, v18;
	_ =	sdelay $0x1  }
0x186: {  	v17 =	vadd.f32 v18, v17  }
0x187: {  	s24 =	rddreg [dreg:$0xd]  }
0x188: {  	s0 =	sadd.s32 s2, s24;
	[tilespmem:v13+s26+$0x0] =	vst.idx.msk $0xffff, v17  }
0x189: {  	s25 =	sadd.s32 s2, s20;
	v17 =	vld [tilespmem:s0+$0xC90]  }
0x18a: {  	v18 =	vld [tilespmem:s25+$0x8C90]  }
0x18b: {  	v19 =	vld [tilespmem:s0+$0xC80]  }
0x18c: {  	v62 =	vld [tilespmem:s25+$0x8C80];
	_ =	sdelay $0x4  }
0x18d: {  	v17 =	vmul.f32 v18, v17;
	v18 =	vmul.f32 v62, v19;
	_ =	sdelay $0x1  }
0x18e: {  	v17 =	vadd.f32 v17, v18;
	_ =	sdelay $0x1  }
0x18f: {  	s28 =	sadd.s32 s2, s17;
	[tilespmem:v14+s26+$0x0] =	vst.idx.msk $0xffff, v17  }
0x190: {  	s18 =	sshll.u32 s18, $0x5;
	v17 =	vld [tilespmem:s28+$0xD00]  }
0x191: {  	s29 =	sadd.s32 s2, s18;
	v18 =	vld [tilespmem:s28+$0xD10]  }
0x192: {  	v19 =	vld [tilespmem:s29+$0x8D10]  }
0x193: {  	v63 =	vld [tilespmem:s29+$0x8D00];
	_ =	sdelay $0x3  }
0x194: {  	p0 =	sne.s32 s1, $0x1E000  }
.Ltmp1:
0x195: {  	v17 =	vmul.f32 v63, v17;
	v18 =	vmul.f32 v19, v18;
	(pc) =	sbr.rel @p0 .LBB2_4-.Ltmp1, $4  }
0x196: {  	_ = 	snop  }
0x197: {  	v17 =	vadd.f32 v18, v17  }
0x198: {  	s1 =	sadd.s32 $0x2000, s1;
	s30 =	rddreg [dreg:$0xb]  }
0x199: {  	s3 =	sadd.s32 s2, s3;
	s4 =	rddreg [dreg:$0x9];
	s2 =	sadd.s32 s2, s30;
	[tilespmem:v15+s26+$0x0] =	vst.idx.msk $0xffff, v17  }
0x19a: {  	v17 =	vld [tilespmem:s2+$0xD90]  }
0x19b: {  	v18 =	vld [tilespmem:s3+$0x8D90]  }
0x19c: {  	v19 =	vld [tilespmem:s2+$0xD80]  }
0x19d: {  	v20 =	vld [tilespmem:s3+$0x8D80];
	_ =	sdelay $0x4  }
0x19e: {  	v17 =	vmul.f32 v18, v17;
	v18 =	vmul.f32 v20, v19;
	_ =	sdelay $0x1  }
0x19f: {  	v17 =	vadd.f32 v17, v18;
	_ =	sdelay $0x1  }
0x1a0: {  	[tilespmem:v16+s26+$0x0] =	vst.idx.msk $0xffff, v17  }
0x1a1: {  	v17 =	vld [tilespmem:$0x10D00]  }
0x1a2: {  	v18 =	vld [tilespmem:$0x10D10];
	_ =	sdelay $0x1  }
0x1a3: {  	v19 =	vld [tilespmem:$0x10D20];
	_ =	sdelay $0x1  }
0x1a4: {  	v20 =	vld [tilespmem:$0x10D30]  }
0x1a5: {  	v17 =	vadd.f32 v18, v17  }
0x1a6: {  	v18 =	vld [tilespmem:$0x10D40]  }
0x1a7: {  	v17 =	vadd.f32 v19, v17  }
0x1a8: {  	v19 =	vld [tilespmem:$0x10D50]  }
0x1a9: {  	v17 =	vadd.f32 v20, v17  }
0x1aa: {  	v20 =	vld [tilespmem:$0x10D60]  }
0x1ab: {  	v17 =	vadd.f32 v18, v17  }
0x1ac: {  	v18 =	vld [tilespmem:$0x10D70]  }
0x1ad: {  	v17 =	vadd.f32 v19, v17  }
0x1ae: {  	v19 =	vld [tilespmem:$0x10D80]  }
0x1af: {  	v17 =	vadd.f32 v20, v17  }
0x1b0: {  	v20 =	vld [tilespmem:$0x10D90]  }
0x1b1: {  	v17 =	vadd.f32 v18, v17  }
0x1b2: {  	v18 =	vld [tilespmem:$0x10DA0]  }
0x1b3: {  	v17 =	vadd.f32 v19, v17  }
0x1b4: {  	v19 =	vld [tilespmem:$0x10DB0]  }
0x1b5: {  	v17 =	vadd.f32 v20, v17  }
0x1b6: {  	v20 =	vld [tilespmem:$0x10DC0]  }
0x1b7: {  	v17 =	vadd.f32 v18, v17  }
0x1b8: {  	v18 =	vld [tilespmem:$0x10DD0]  }
0x1b9: {  	v17 =	vadd.f32 v19, v17  }
0x1ba: {  	v19 =	vld [tilespmem:$0x10DE0]  }
0x1bb: {  	v17 =	vadd.f32 v20, v17  }
0x1bc: {  	v20 =	vld [tilespmem:$0x10DF0]  }
0x1bd: {  	v17 =	vadd.f32 v18, v17;
	_ =	sdelay $0x1  }
0x1be: {  	v17 =	vadd.f32 v19, v17;
	_ =	sdelay $0x1  }
0x1bf: {  	v17 =	vadd.f32 v20, v17;
	_ =	sdelay $0x1  }
0x1c0: {  	s0 =	simm.s32 $0x0;
	[tilespmem:s4+$0x0] =	vst v17  }
0x1c1: {  	v17 =	vld [tilespmem:s0+$0x300]  }
0x1c2: {  	s1 =	simm.s32 $0x40;
	v18 =	vld [tilespmem:s0+$0x100]  }
.LBB2_6:
0x1c3: {  	p0 =	sne.s32 s1, $0x3C0  }
.Ltmp2:
0x1c4: {  	_ = 	snop;
	(pc) =	sbr.rel @p0 .LBB2_6-.Ltmp2, $4  }
0x1c5: {  	_ = 	snop  }
0x1c6: {  	s2 =	sshra.s32 s1, $0x2;
	s1 =	sadd.s32 $0x40, s1;
	v19 =	vshrl.u32 v17, $0x2  }
0x1c7: {  	v17 =	vld [tilespmem:s2+$0x300];
	v20 =	vshrl.u32 v18, $0x2;
	[tilespmem:s0+$0x500] =	vst v19  }
0x1c8: {  	v18 =	vld [tilespmem:s2+$0x100];
	[tilespmem:s0+$0x400] =	vst v20;
	s0 =	smov.u32 s2  }
0x1c9: {  	_ =	sdelay $0x2  }
0x1ca: {  	v17 =	vshrl.u32 v17, $0x2  }
0x1cb: {  	s19 =	simm.s32 $0x100;
	s11 =	rddreg [dreg:$0xf];
	v18 =	vshrl.u32 v18, $0x2;
	[tilespmem:s0+$0x500] =	vst v17  }
0x1cc: {  	s1 =	simm.s32 $0x400;
	s2 =	simm.s32 $0x600;
	s12 =	rddreg [dreg:$0x10];
	[tilespmem:s0+$0x400] =	vst v18  }
0x1cd: {  	[tilespmem:s2], [sflag:$0x1] =	stream.indirect.gather [hbm4b:s11+s19], $0x80, s1, s19, $0xb8;
	[tilespmem:$0x10E00] =	vst v63  }
0x1ce: {  	s13 =	simm.s32 $0x500;
	s14 =	simm.s32 $0x8600;
	s15 =	simm.s32 $0x1  }
0x1cf: {  	[tilespmem:s14], [sflag:$0x1] =	stream.indirect.gather [hbm4b:s12+s19], $0x80, s13, s19, $0xb8;
	[tilespmem:$0x10E00] =	vst v63  }
0x1d0: {  	_ =	swait.ge [sflag:s15], $0x8000  }
0x1d1: {  	[sflag:s15] =	ssyncset.done $0x0  }
0x1d2: {  	[sflag:s15] =	ssyncadd.s32 $0xFFFF8000  }
0x1d3: {  	_ =	swait.ge [sflag:s15], $0x8000  }
0x1d4: {  	[sflag:s15] =	ssyncset.done $0x0  }
0x1d5: {  	[sflag:s15] =	ssyncadd.s32 $0xFFFF8000  }
0x1d6: {  	v17 =	vld [tilespmem:s19+$0x0]  }
0x1d7: {  	s31 =	simm.s32 $0x300  }
0x1d8: {  	v18 =	vld [tilespmem:s31+$0x0];
	_ =	sdelay $0x2  }
0x1d9: {  	(v2sf) =	vpush v17, $0x0;
	_ =	sdelay $0x1  }
0x1da: {  	(v2sf) =	vpush v18, $0x0;
	_ =	sdelay $0x9  }
0x1db: {  	(v2sf) =	vpush v18, $0x1  }
0x1dc: {  	(v2sf) =	vpush v17, $0x1;
	_ =	sdelay $0x1  }
0x1dd: {  	s16 =	spop (v2sf)  }
0x1de: {  	s0 =	sand.u32 $0x3, s16  }
0x1df: {  	s17 =	spop (v2sf);
	s0 =	sshll.u32 s0, $0x5  }
0x1e0: {  	s1 =	sand.u32 $0x3, s17;
	s0 =	sadd.s32 $0x0, s0  }
0x1e1: {  	s1 =	sshll.u32 s1, $0x5;
	v19 =	vld [tilespmem:s0+$0x600]  }
0x1e2: {  	s1 =	sadd.s32 $0x0, s1;
	v20 =	vld [tilespmem:s0+$0x610]  }
0x1e3: {  	v21 =	vld [tilespmem:s1+$0x8600]  }
0x1e4: {  	v22 =	vld [tilespmem:s1+$0x8610];
	_ =	sdelay $0x3  }
0x1e5: {  	(v2sf) =	vpush v17, $0x2  }
0x1e6: {  	s18 =	spop (v2sf);
	v19 =	vmul.f32 v21, v19;
	v20 =	vmul.f32 v22, v20  }
0x1e7: {  	(v2sf) =	vpush v18, $0x2;
	s20 =	spop (v2sf)  }
0x1e8: {  	s1 =	sand.u32 $0x3, s20;
	v19 =	vadd.f32 v20, v19  }
0x1e9: {  	s0 =	sand.u32 $0x3, s18;
	s1 =	sshll.u32 s1, $0x5  }
0x1ea: {  	s0 =	sshll.u32 s0, $0x5;
	s1 =	sadd.s32 $0x0, s1;
	[tilespmem:v1+s26+$0x0] =	vst.idx.msk $0xffff, v19  }
0x1eb: {  	s0 =	sadd.s32 $0x0, s0;
	v19 =	vld [tilespmem:s1+$0x680]  }
0x1ec: {  	v58 =	vld [tilespmem:s0+$0x8680]  }
0x1ed: {  	v59 =	vld [tilespmem:s0+$0x8690]  }
0x1ee: {  	v60 =	vld [tilespmem:s1+$0x690];
	_ =	sdelay $0x3  }
0x1ef: {  	(v2sf) =	vpush v17, $0x3  }
0x1f0: {  	v19 =	vmul.f32 v58, v19;
	v61 =	vmul.f32 v59, v60  }
0x1f1: {  	(v2sf) =	vpush v18, $0x3;
	s21 =	spop (v2sf)  }
0x1f2: {  	s0 =	sand.u32 $0x3, s21;
	v19 =	vadd.f32 v61, v19  }
0x1f3: {  	s22 =	spop (v2sf);
	s0 =	sshll.u32 s0, $0x5  }
0x1f4: {  	s1 =	sand.u32 $0x3, s22;
	s0 =	sadd.s32 $0x0, s0;
	[tilespmem:v2+s26+$0x0] =	vst.idx.msk $0xffff, v19  }
0x1f5: {  	s1 =	sshll.u32 s1, $0x5;
	v19 =	vld [tilespmem:s0+$0x700]  }
0x1f6: {  	s23 =	sadd.s32 $0x0, s1;
	v62 =	vld [tilespmem:s0+$0x710]  }
0x1f7: {  	v63 =	vld [tilespmem:s23+$0x8710]  }
0x1f8: {  	v24 =	vld [tilespmem:s23+$0x8700];
	_ =	sdelay $0x3  }
0x1f9: {  	(v2sf) =	vpush v17, $0x4  }
0x1fa: {  	(v2sf) =	vpush v18, $0x4;
	v20 =	vmul.f32 v63, v62;
	v19 =	vmul.f32 v24, v19  }
0x1fb: {  	s24 =	spop (v2sf)  }
0x1fc: {  	s0 =	sand.u32 $0x3, s24;
	v19 =	vadd.f32 v20, v19  }
0x1fd: {  	s25 =	spop (v2sf);
	s0 =	sshll.u32 s0, $0x5  }
0x1fe: {  	s1 =	sand.u32 $0x3, s25;
	s0 =	sadd.s32 $0x0, s0;
	[tilespmem:v3+s26+$0x0] =	vst.idx.msk $0xffff, v19  }
0x1ff: {  	s1 =	sshll.u32 s1, $0x5;
	v19 =	vld [tilespmem:s0+$0x780]  }
0x200: {  	s28 =	sadd.s32 $0x0, s1;
	v25 =	vld [tilespmem:s0+$0x790]  }
0x201: {  	v26 =	vld [tilespmem:s28+$0x8790]  }
0x202: {  	v27 =	vld [tilespmem:s28+$0x8780];
	_ =	sdelay $0x3  }
0x203: {  	(v2sf) =	vpush v17, $0x5  }
0x204: {  	(v2sf) =	vpush v18, $0x5;
	v19 =	vmul.f32 v27, v19;
	v20 =	vmul.f32 v26, v25  }
0x205: {  	s29 =	spop (v2sf)  }
0x206: {  	s30 =	spop (v2sf);
	s0 =	sand.u32 $0x3, s29;
	v19 =	vadd.f32 v20, v19  }
0x207: {  	s1 =	sand.u32 $0x3, s30;
	s0 =	sshll.u32 s0, $0x5  }
0x208: {  	s1 =	sshll.u32 s1, $0x5;
	s0 =	sadd.s32 $0x0, s0;
	[tilespmem:v4+s26+$0x0] =	vst.idx.msk $0xffff, v19  }
0x209: {  	s1 =	sadd.s32 $0x0, s1;
	v19 =	vld [tilespmem:s0+$0x810]  }
0x20a: {  	v28 =	vld [tilespmem:s1+$0x8810]  }
0x20b: {  	v29 =	vld [tilespmem:s0+$0x800]  }
0x20c: {  	v30 =	vld [tilespmem:s1+$0x8800];
	_ =	sdelay $0x3  }
0x20d: {  	(v2sf) =	vpush v17, $0x6  }
0x20e: {  	(v2sf) =	vpush v18, $0x6;
	v19 =	vmul.f32 v28, v19;
	v31 =	vmul.f32 v30, v29  }
0x20f: {  	s1 =	spop (v2sf)  }
0x210: {  	s0 =	sand.u32 $0x3, s1;
	s2 =	spop (v2sf);
	v19 =	vadd.f32 v19, v31  }
0x211: {  	s0 =	sshll.u32 s0, $0x5;
	s1 =	sand.u32 $0x3, s2  }
0x212: {  	s1 =	sshll.u32 s1, $0x5;
	s0 =	sadd.s32 $0x0, s0;
	[tilespmem:v5+s26+$0x0] =	vst.idx.msk $0xffff, v19  }
0x213: {  	s1 =	sadd.s32 $0x0, s1;
	v19 =	vld [tilespmem:s0+$0x890]  }
0x214: {  	v32 =	vld [tilespmem:s1+$0x8890]  }
0x215: {  	v33 =	vld [tilespmem:s0+$0x880]  }
0x216: {  	v34 =	vld [tilespmem:s1+$0x8880];
	_ =	sdelay $0x3  }
0x217: {  	(v2sf) =	vpush v17, $0x7  }
0x218: {  	(v2sf) =	vpush v18, $0x7;
	v19 =	vmul.f32 v32, v19;
	v35 =	vmul.f32 v34, v33  }
0x219: {  	s3 =	spop (v2sf)  }
0x21a: {  	s4 =	spop (v2sf);
	s0 =	sand.u32 $0x3, s3;
	v19 =	vadd.f32 v19, v35  }
0x21b: {  	s1 =	sand.u32 $0x3, s4;
	s0 =	sshll.u32 s0, $0x5  }
0x21c: {  	s1 =	sshll.u32 s1, $0x5;
	s0 =	sadd.s32 $0x0, s0;
	[tilespmem:v6+s26+$0x0] =	vst.idx.msk $0xffff, v19  }
0x21d: {  	s1 =	sadd.s32 $0x0, s1;
	v19 =	vld [tilespmem:s0+$0x910]  }
0x21e: {  	v36 =	vld [tilespmem:s1+$0x8910]  }
0x21f: {  	v37 =	vld [tilespmem:s0+$0x900]  }
0x220: {  	v38 =	vld [tilespmem:s1+$0x8900];
	_ =	sdelay $0x3  }
0x221: {  	(v2sf) =	vpush v17, $0x8  }
0x222: {  	v19 =	vmul.f32 v36, v19;
	v39 =	vmul.f32 v38, v37  }
0x223: {  	(v2sf) =	vpush v18, $0x8;
	s5 =	spop (v2sf)  }
0x224: {  	s6 =	spop (v2sf);
	s0 =	sand.u32 $0x3, s5;
	v19 =	vadd.f32 v19, v39  }
0x225: {  	s1 =	sand.u32 $0x3, s6;
	s0 =	sshll.u32 s0, $0x5  }
0x226: {  	s1 =	sshll.u32 s1, $0x5;
	s0 =	sadd.s32 $0x0, s0;
	[tilespmem:v7+s26+$0x0] =	vst.idx.msk $0xffff, v19  }
0x227: {  	s1 =	sadd.s32 $0x0, s1;
	v19 =	vld [tilespmem:s0+$0x980]  }
0x228: {  	v40 =	vld [tilespmem:s1+$0x8990]  }
0x229: {  	v41 =	vld [tilespmem:s1+$0x8980]  }
0x22a: {  	v42 =	vld [tilespmem:s0+$0x990];
	_ =	sdelay $0x3  }
0x22b: {  	(v2sf) =	vpush v17, $0x9  }
0x22c: {  	(v2sf) =	vpush v18, $0x9;
	v19 =	vmul.f32 v41, v19;
	v20 =	vmul.f32 v40, v42  }
0x22d: {  	s7 =	spop (v2sf)  }
0x22e: {  	s0 =	sand.u32 $0x3, s7;
	v19 =	vadd.f32 v20, v19  }
0x22f: {  	s8 =	spop (v2sf);
	s0 =	sshll.u32 s0, $0x5  }
0x230: {  	s1 =	sand.u32 $0x3, s8;
	s0 =	sadd.s32 $0x0, s0;
	[tilespmem:v8+s26+$0x0] =	vst.idx.msk $0xffff, v19  }
0x231: {  	s1 =	sshll.u32 s1, $0x5;
	v19 =	vld [tilespmem:s0+$0xA00]  }
0x232: {  	s9 =	sadd.s32 $0x0, s1;
	v43 =	vld [tilespmem:s0+$0xA10]  }
0x233: {  	v44 =	vld [tilespmem:s9+$0x8A10]  }
0x234: {  	v45 =	vld [tilespmem:s9+$0x8A00];
	_ =	sdelay $0x3  }
0x235: {  	(v2sf) =	vpush v17, $0xA  }
0x236: {  	v19 =	vmul.f32 v45, v19;
	v20 =	vmul.f32 v44, v43  }
0x237: {  	(v2sf) =	vpush v18, $0xA;
	s10 =	spop (v2sf)  }
0x238: {  	s11 =	spop (v2sf);
	s0 =	sand.u32 $0x3, s10;
	v19 =	vadd.f32 v20, v19  }
0x239: {  	s1 =	sand.u32 $0x3, s11;
	s0 =	sshll.u32 s0, $0x5  }
0x23a: {  	s1 =	sshll.u32 s1, $0x5;
	s0 =	sadd.s32 $0x0, s0;
	[tilespmem:v9+s26+$0x0] =	vst.idx.msk $0xffff, v19  }
0x23b: {  	s1 =	sadd.s32 $0x0, s1;
	v19 =	vld [tilespmem:s0+$0xA90]  }
0x23c: {  	v46 =	vld [tilespmem:s1+$0x8A90]  }
0x23d: {  	v47 =	vld [tilespmem:s0+$0xA80]  }
0x23e: {  	v48 =	vld [tilespmem:s1+$0x8A80];
	_ =	sdelay $0x3  }
0x23f: {  	(v2sf) =	vpush v17, $0xB  }
0x240: {  	(v2sf) =	vpush v18, $0xB;
	v19 =	vmul.f32 v46, v19;
	v49 =	vmul.f32 v48, v47  }
0x241: {  	s12 =	spop (v2sf)  }
0x242: {  	s0 =	sand.u32 $0x3, s12;
	v19 =	vadd.f32 v19, v49  }
0x243: {  	s13 =	spop (v2sf);
	s0 =	sshll.u32 s0, $0x5  }
0x244: {  	s1 =	sand.u32 $0x3, s13;
	s0 =	sadd.s32 $0x0, s0;
	[tilespmem:v10+s26+$0x0] =	vst.idx.msk $0xffff, v19  }
0x245: {  	s1 =	sshll.u32 s1, $0x5;
	v19 =	vld [tilespmem:s0+$0xB00]  }
0x246: {  	s14 =	sadd.s32 $0x0, s1;
	v50 =	vld [tilespmem:s0+$0xB10]  }
0x247: {  	v51 =	vld [tilespmem:s14+$0x8B10]  }
0x248: {  	v52 =	vld [tilespmem:s14+$0x8B00];
	_ =	sdelay $0x3  }
0x249: {  	(v2sf) =	vpush v17, $0xC  }
0x24a: {  	v19 =	vmul.f32 v52, v19;
	v20 =	vmul.f32 v51, v50  }
0x24b: {  	(v2sf) =	vpush v18, $0xC;
	s15 =	spop (v2sf)  }
0x24c: {  	s16 =	spop (v2sf);
	s0 =	sand.u32 $0x3, s15;
	v19 =	vadd.f32 v20, v19  }
0x24d: {  	s1 =	sand.u32 $0x3, s16;
	s0 =	sshll.u32 s0, $0x5  }
0x24e: {  	s1 =	sshll.u32 s1, $0x5;
	s0 =	sadd.s32 $0x0, s0;
	[tilespmem:v11+s26+$0x0] =	vst.idx.msk $0xffff, v19  }
0x24f: {  	s1 =	sadd.s32 $0x0, s1;
	v19 =	vld [tilespmem:s0+$0xB90]  }
0x250: {  	v53 =	vld [tilespmem:s1+$0x8B90]  }
0x251: {  	v54 =	vld [tilespmem:s0+$0xB80]  }
0x252: {  	v55 =	vld [tilespmem:s1+$0x8B80];
	_ =	sdelay $0x3  }
0x253: {  	(v2sf) =	vpush v17, $0xD  }
0x254: {  	(v2sf) =	vpush v18, $0xD;
	v19 =	vmul.f32 v53, v19;
	v56 =	vmul.f32 v55, v54  }
0x255: {  	s17 =	spop (v2sf)  }
0x256: {  	s0 =	sand.u32 $0x3, s17;
	v19 =	vadd.f32 v19, v56  }
0x257: {  	s18 =	spop (v2sf);
	s0 =	sshll.u32 s0, $0x5  }
0x258: {  	s1 =	sand.u32 $0x3, s18;
	s0 =	sadd.s32 $0x0, s0;
	[tilespmem:v12+s26+$0x0] =	vst.idx.msk $0xffff, v19  }
0x259: {  	s1 =	sshll.u32 s1, $0x5;
	v19 =	vld [tilespmem:s0+$0xC00]  }
0x25a: {  	s20 =	sadd.s32 $0x0, s1;
	v57 =	vld [tilespmem:s0+$0xC10]  }
0x25b: {  	v58 =	vld [tilespmem:s20+$0x8C10]  }
0x25c: {  	v59 =	vld [tilespmem:s20+$0x8C00];
	_ =	sdelay $0x3  }
0x25d: {  	(v2sf) =	vpush v17, $0xE  }
0x25e: {  	v19 =	vmul.f32 v59, v19;
	v20 =	vmul.f32 v58, v57  }
0x25f: {  	(v2sf) =	vpush v18, $0xE;
	s21 =	spop (v2sf)  }
0x260: {  	s22 =	spop (v2sf);
	s0 =	sand.u32 $0x3, s21;
	v19 =	vadd.f32 v20, v19  }
0x261: {  	s1 =	sand.u32 $0x3, s22;
	s0 =	sshll.u32 s0, $0x5  }
0x262: {  	s1 =	sshll.u32 s1, $0x5;
	s0 =	sadd.s32 $0x0, s0;
	[tilespmem:v13+s26+$0x0] =	vst.idx.msk $0xffff, v19  }
0x263: {  	s1 =	sadd.s32 $0x0, s1;
	v19 =	vld [tilespmem:s0+$0xC90]  }
0x264: {  	v60 =	vld [tilespmem:s1+$0x8C90]  }
0x265: {  	v61 =	vld [tilespmem:s0+$0xC80]  }
0x266: {  	v62 =	vld [tilespmem:s1+$0x8C80];
	_ =	sdelay $0x2  }
0x267: {  	(v2sf) =	vpush v17, $0xF  }
0x268: {  	(v2sf) =	vpush v18, $0xF  }
0x269: {  	v17 =	vmul.f32 v60, v19;
	v18 =	vmul.f32 v62, v61  }
0x26a: {  	s23 =	spop (v2sf)  }
0x26b: {  	s0 =	sand.u32 $0x3, s23;
	v17 =	vadd.f32 v17, v18  }
0x26c: {  	s24 =	spop (v2sf);
	s0 =	sshll.u32 s0, $0x5  }
0x26d: {  	s1 =	sand.u32 $0x3, s24;
	s0 =	sadd.s32 $0x0, s0;
	[tilespmem:v14+s26+$0x0] =	vst.idx.msk $0xffff, v17  }
0x26e: {  	s1 =	sshll.u32 s1, $0x5;
	v17 =	vld [tilespmem:s0+$0xD00]  }
0x26f: {  	s25 =	sadd.s32 $0x0, s1;
	v18 =	vld [tilespmem:s0+$0xD10]  }
0x270: {  	v19 =	vld [tilespmem:s25+$0x8D10]  }
0x271: {  	v63 =	vld [tilespmem:s25+$0x8D00];
	_ =	sdelay $0x4  }
0x272: {  	s28 =	spop (v2sf);
	v17 =	vmul.f32 v63, v17;
	v18 =	vmul.f32 v19, v18  }
0x273: {  	s29 =	spop (v2sf)  }
0x274: {  	s4 =	simm.s32 $0x10B00;
	s30 =	sand.u32 $0x3, s29;
	s0 =	sand.u32 $0x3, s28;
	v17 =	vadd.f32 v18, v17  }
0x275: {  	s5 =	simm.s32 $0x10B00;
	s2 =	sshll.u32 s30, $0x5;
	s0 =	sshll.u32 s0, $0x5  }
0x276: {  	s3 =	sadd.s32 $0x0, s2;
	s1 =	simm.s32 $0x2000;
	s2 =	sadd.s32 $0x0, s0;
	[tilespmem:v15+s26+$0x0] =	vst.idx.msk $0xffff, v17  }
.LBB2_8:
0x277: {  	v17 =	vld [tilespmem:s2+$0xD90]  }
0x278: {  	v18 =	vld [tilespmem:s3+$0x8D90]  }
0x279: {  	v19 =	vld [tilespmem:s2+$0xD80]  }
0x27a: {  	v20 =	vld [tilespmem:s3+$0x8D80];
	_ =	sdelay $0x4  }
0x27b: {  	v17 =	vmul.f32 v18, v17;
	v18 =	vmul.f32 v20, v19;
	_ =	sdelay $0x1  }
0x27c: {  	v17 =	vadd.f32 v17, v18;
	_ =	sdelay $0x1  }
0x27d: {  	[tilespmem:v16+s26+$0x0] =	vst.idx.msk $0xffff, v17  }
0x27e: {  	v17 =	vld [tilespmem:$0x10D00]  }
0x27f: {  	v18 =	vld [tilespmem:$0x10D10];
	_ =	sdelay $0x1  }
0x280: {  	v19 =	vld [tilespmem:$0x10D20];
	_ =	sdelay $0x1  }
0x281: {  	v42 =	vld [tilespmem:$0x10D30]  }
0x282: {  	v17 =	vadd.f32 v18, v17  }
0x283: {  	v21 =	vld [tilespmem:$0x10D40]  }
0x284: {  	v17 =	vadd.f32 v19, v17  }
0x285: {  	v22 =	vld [tilespmem:$0x10D50]  }
0x286: {  	v17 =	vadd.f32 v42, v17  }
0x287: {  	v18 =	vld [tilespmem:$0x10D60]  }
0x288: {  	v17 =	vadd.f32 v21, v17  }
0x289: {  	v23 =	vld [tilespmem:$0x10D70]  }
0x28a: {  	v17 =	vadd.f32 v22, v17  }
0x28b: {  	v19 =	vld [tilespmem:$0x10D80]  }
0x28c: {  	v17 =	vadd.f32 v18, v17  }
0x28d: {  	v24 =	vld [tilespmem:$0x10D90]  }
0x28e: {  	v17 =	vadd.f32 v23, v17  }
0x28f: {  	v43 =	vld [tilespmem:$0x10DA0]  }
0x290: {  	v17 =	vadd.f32 v19, v17  }
0x291: {  	v25 =	vld [tilespmem:$0x10DB0]  }
0x292: {  	v17 =	vadd.f32 v24, v17  }
0x293: {  	v44 =	vld [tilespmem:$0x10DC0]  }
0x294: {  	v17 =	vadd.f32 v43, v17  }
0x295: {  	v26 =	vld [tilespmem:$0x10DD0]  }
0x296: {  	v17 =	vadd.f32 v25, v17  }
0x297: {  	v45 =	vld [tilespmem:$0x10DE0]  }
0x298: {  	v17 =	vadd.f32 v44, v17  }
0x299: {  	v27 =	vld [tilespmem:$0x10DF0]  }
0x29a: {  	v17 =	vadd.f32 v26, v17;
	_ =	sdelay $0x1  }
0x29b: {  	v17 =	vadd.f32 v45, v17;
	_ =	sdelay $0x1  }
0x29c: {  	v17 =	vadd.f32 v27, v17;
	_ =	sdelay $0x1  }
0x29d: {  	s19 =	sadd.s32 $0x10, s19;
	[tilespmem:s4+$0x0] =	vst v17  }
0x29e: {  	v18 =	vld [tilespmem:s19+$0x0]  }
0x29f: {  	s31 =	sadd.s32 $0x10, s31  }
0x2a0: {  	v17 =	vld [tilespmem:s31+$0x0];
	_ =	sdelay $0x2  }
0x2a1: {  	(v2sf) =	vpush v18, $0x0;
	_ =	sdelay $0x1  }
0x2a2: {  	(v2sf) =	vpush v17, $0x0  }
0x2a3: {  	(v2sf) =	vpush v17, $0x1;
	_ =	sdelay $0x1  }
0x2a4: {  	(v2sf) =	vpush v18, $0x1;
	_ =	sdelay $0x1  }
0x2a5: {  	(v2sf) =	vpush v18, $0x2  }
0x2a6: {  	(v2sf) =	vpush v17, $0x2  }
0x2a7: {  	(v2sf) =	vpush v18, $0x3  }
0x2a8: {  	(v2sf) =	vpush v17, $0x3  }
0x2a9: {  	(v2sf) =	vpush v18, $0x4  }
0x2aa: {  	(v2sf) =	vpush v17, $0x4  }
0x2ab: {  	(v2sf) =	vpush v18, $0x5  }
0x2ac: {  	(v2sf) =	vpush v17, $0x5  }
0x2ad: {  	(v2sf) =	vpush v18, $0x6;
	s20 =	spop (v2sf)  }
0x2ae: {  	s0 =	smov.u32 s1;
	(v2sf) =	vpush v17, $0x6;
	s21 =	sand.u32 $0x3, s20  }
0x2af: {  	s2 =	sshra.s32 s0, $0x2;
	s22 =	spop (v2sf);
	(v2sf) =	vpush v18, $0x7;
	s3 =	sshll.u32 s21, $0x5  }
0x2b0: {  	s0 =	sand.u32 $0x3, s22;
	s23 =	spop (v2sf);
	(v2sf) =	vpush v17, $0x7;
	s3 =	sadd.s32 s2, s3  }
0x2b1: {  	s0 =	sshll.u32 s0, $0x5;
	(v2sf) =	vpush v18, $0x8;
	v19 =	vld [tilespmem:s3+$0x600]  }
0x2b2: {  	s24 =	spop (v2sf);
	s0 =	sadd.s32 s2, s0;
	(v2sf) =	vpush v17, $0x8;
	v46 =	vld [tilespmem:s3+$0x610]  }
0x2b3: {  	v47 =	vld [tilespmem:s0+$0x8600]  }
0x2b4: {  	s28 =	spop (v2sf);
	(v2sf) =	vpush v18, $0x9;
	v48 =	vld [tilespmem:s0+$0x8610]  }
0x2b5: {  	s30 =	spop (v2sf);
	(v2sf) =	vpush v17, $0x9  }
0x2b6: {  	s5 =	sadd.s32 $0x10, s5;
	s6 =	spop (v2sf);
	(v2sf) =	vpush v18, $0xA  }
0x2b7: {  	s18 =	smov.u32 s5;
	s10 =	spop (v2sf);
	(v2sf) =	vpush v17, $0xA  }
0x2b8: {  	[dreg:$0xa] =	wrdreg s18;
	s9 =	sand.u32 $0x3, s6;
	s6 =	spop (v2sf);
	(v2sf) =	vpush v18, $0xB  }
0x2b9: {  	s4 =	sand.u32 $0x3, s23;
	s0 =	sshll.u32 s9, $0x5;
	s9 =	spop (v2sf);
	(v2sf) =	vpush v17, $0xB;
	v19 =	vmul.f32 v47, v19;
	v20 =	vmul.f32 v48, v46  }
0x2ba: {  	s7 =	sshll.u32 s4, $0x5;
	s25 =	sand.u32 $0x3, s24;
	s12 =	spop (v2sf);
	(v2sf) =	vpush v18, $0xC  }
0x2bb: {  	s8 =	sshll.u32 s25, $0x5;
	s4 =	sand.u32 $0x3, s30;
	s16 =	spop (v2sf);
	v19 =	vadd.f32 v20, v19  }
0x2bc: {  	s3 =	sshll.u32 s4, $0x5;
	s4 =	sand.u32 $0x3, s10;
	(v2sf) =	vpush v17, $0xC;
	s10 =	spop (v2sf)  }
0x2bd: {  	s21 =	sadd.s32 s2, s8;
	s11 =	sand.u32 $0x3, s9;
	(v2sf) =	vpush v18, $0xD;
	s18 =	spop (v2sf);
	[tilespmem:v1+s26+$0x0] =	vst.idx.msk $0xffff, v19  }
0x2be: {  	s25 =	sshll.u32 s11, $0x5;
	s11 =	sadd.s32 s2, s7;
	(v2sf) =	vpush v17, $0xD;
	v19 =	vld [tilespmem:s21+$0x680];
	s22 =	spop (v2sf)  }
0x2bf: {  	s14 =	sand.u32 $0x3, s12;
	v49 =	vld [tilespmem:s11+$0x8680];
	(v2sf) =	vpush v18, $0xE;
	s12 =	spop (v2sf)  }
0x2c0: {  	s29 =	sand.u32 $0x3, s28;
	v50 =	vld [tilespmem:s11+$0x8690];
	s24 =	spop (v2sf);
	(v2sf) =	vpush v17, $0xE  }
0x2c1: {  	s9 =	sand.u32 $0x3, s16;
	s17 =	sand.u32 $0x3, s10;
	s30 =	spop (v2sf);
	(v2sf) =	vpush v18, $0xF;
	v18 =	vld [tilespmem:s21+$0x690]  }
0x2c2: {  	s13 =	sshll.u32 s29, $0x5;
	s29 =	sshll.u32 s9, $0x5;
	s7 =	sshll.u32 s17, $0x5  }
0x2c3: {  	s20 =	sand.u32 $0x3, s18;
	s9 =	sand.u32 $0x3, s22;
	s17 =	spop (v2sf)  }
0x2c4: {  	s8 =	sshll.u32 s20, $0x5;
	s16 =	sshll.u32 s9, $0x5;
	s20 =	spop (v2sf)  }
0x2c5: {  	s23 =	sand.u32 $0x3, s12;
	s18 =	sand.u32 $0x3, s17;
	s17 =	spop (v2sf)  }
0x2c6: {  	s28 =	sand.u32 $0x3, s24;
	(v2sf) =	vpush v17, $0xF;
	v17 =	vmul.f32 v49, v19;
	s9 =	sshll.u32 s18, $0x5;
	s18 =	spop (v2sf);
	v18 =	vmul.f32 v50, v18  }
0x2c7: {  	s11 =	sshll.u32 s28, $0x5;
	s12 =	sand.u32 $0x3, s30;
	s22 =	spop (v2sf)  }
0x2c8: {  	s10 =	sand.u32 $0x3, s20;
	s21 =	sand.u32 $0x3, s18;
	s30 =	spop (v2sf);
	v17 =	vadd.f32 v18, v17  }
0x2c9: {  	s24 =	sshll.u32 s21, $0x5;
	s28 =	sand.u32 $0x3, s22;
	s20 =	spop (v2sf)  }
0x2ca: {  	s21 =	sshll.u32 s28, $0x5;
	s28 =	sand.u32 $0x3, s20;
	s20 =	sadd.s32 s2, s13;
	[tilespmem:v2+s26+$0x0] =	vst.idx.msk $0xffff, v17  }
0x2cb: {  	v17 =	vld [tilespmem:s20+$0x700]  }
0x2cc: {  	s3 =	sadd.s32 s2, s3;
	v18 =	vld [tilespmem:s20+$0x710]  }
0x2cd: {  	v19 =	vld [tilespmem:s3+$0x8710]  }
0x2ce: {  	v51 =	vld [tilespmem:s3+$0x8700];
	_ =	sdelay $0x4  }
0x2cf: {  	v18 =	vmul.f32 v19, v18;
	v17 =	vmul.f32 v51, v17;
	_ =	sdelay $0x1  }
0x2d0: {  	v17 =	vadd.f32 v18, v17;
	_ =	sdelay $0x1  }
0x2d1: {  	s0 =	sadd.s32 s2, s0;
	[tilespmem:v3+s26+$0x0] =	vst.idx.msk $0xffff, v17  }
0x2d2: {  	s4 =	sshll.u32 s4, $0x5;
	v17 =	vld [tilespmem:s0+$0x780]  }
0x2d3: {  	s4 =	sadd.s32 s2, s4;
	v18 =	vld [tilespmem:s0+$0x790]  }
0x2d4: {  	s6 =	sand.u32 $0x3, s6;
	v19 =	vld [tilespmem:s4+$0x8790]  }
0x2d5: {  	s15 =	sshll.u32 s6, $0x5;
	s6 =	sshll.u32 s14, $0x5;
	v52 =	vld [tilespmem:s4+$0x8780]  }
0x2d6: {  	s17 =	sand.u32 $0x3, s17;
	s18 =	sand.u32 $0x3, s30;
	s30 =	spop (v2sf)  }
0x2d7: {  	s22 =	sshll.u32 s18, $0x5;
	s18 =	sand.u32 $0x3, s30;
	s30 =	spop (v2sf)  }
0x2d8: {  	s14 =	sshll.u32 s23, $0x5;
	s23 =	sshll.u32 s17, $0x5;
	s30 =	sand.u32 $0x3, s30  }
0x2d9: {  	s13 =	sshll.u32 s18, $0x5;
	s18 =	spop (v2sf);
	s17 =	sshll.u32 s30, $0x5  }
0x2da: {  	[dreg:$0xe] =	wrdreg s17;
	s17 =	sand.u32 $0x3, s18;
	s30 =	spop (v2sf);
	v17 =	vmul.f32 v52, v17;
	v18 =	vmul.f32 v19, v18  }
0x2db: {  	s20 =	sshll.u32 s17, $0x5;
	s18 =	sand.u32 $0x3, s30;
	s30 =	spop (v2sf)  }
0x2dc: {  	s17 =	sshll.u32 s18, $0x5;
	s18 =	sand.u32 $0x3, s30;
	s30 =	spop (v2sf);
	v17 =	vadd.f32 v18, v17  }
0x2dd: {  	s3 =	sand.u32 $0x3, s30;
	s30 =	spop (v2sf)  }
0x2de: {  	s15 =	sadd.s32 s2, s15;
	s3 =	sshll.u32 s3, $0x5;
	s30 =	sand.u32 $0x3, s30;
	[tilespmem:v4+s26+$0x0] =	vst.idx.msk $0xffff, v17  }
0x2df: {  	[dreg:$0xc] =	wrdreg s3;
	s3 =	sshll.u32 s30, $0x5;
	s30 =	sadd.s32 s2, s25;
	v17 =	vld [tilespmem:s15+$0x810]  }
0x2e0: {  	v18 =	vld [tilespmem:s30+$0x8810]  }
0x2e1: {  	v19 =	vld [tilespmem:s15+$0x800]  }
0x2e2: {  	v53 =	vld [tilespmem:s30+$0x8800];
	_ =	sdelay $0x4  }
0x2e3: {  	v17 =	vmul.f32 v18, v17;
	v18 =	vmul.f32 v53, v19;
	_ =	sdelay $0x1  }
0x2e4: {  	v17 =	vadd.f32 v17, v18;
	_ =	sdelay $0x1  }
0x2e5: {  	s6 =	sadd.s32 s2, s6;
	[tilespmem:v5+s26+$0x0] =	vst.idx.msk $0xffff, v17  }
0x2e6: {  	s15 =	sadd.s32 s2, s29;
	v17 =	vld [tilespmem:s6+$0x890]  }
0x2e7: {  	v18 =	vld [tilespmem:s15+$0x8890]  }
0x2e8: {  	v19 =	vld [tilespmem:s6+$0x880]  }
0x2e9: {  	v54 =	vld [tilespmem:s15+$0x8880];
	_ =	sdelay $0x4  }
0x2ea: {  	v17 =	vmul.f32 v18, v17;
	v18 =	vmul.f32 v54, v19;
	_ =	sdelay $0x1  }
0x2eb: {  	v17 =	vadd.f32 v17, v18;
	_ =	sdelay $0x1  }
0x2ec: {  	s25 =	sadd.s32 s2, s7;
	[tilespmem:v6+s26+$0x0] =	vst.idx.msk $0xffff, v17  }
0x2ed: {  	s29 =	sadd.s32 s2, s8;
	v17 =	vld [tilespmem:s25+$0x910]  }
0x2ee: {  	v18 =	vld [tilespmem:s29+$0x8910]  }
0x2ef: {  	v19 =	vld [tilespmem:s25+$0x900]  }
0x2f0: {  	v55 =	vld [tilespmem:s29+$0x8900];
	_ =	sdelay $0x4  }
0x2f1: {  	v17 =	vmul.f32 v18, v17;
	v18 =	vmul.f32 v55, v19;
	_ =	sdelay $0x1  }
0x2f2: {  	v17 =	vadd.f32 v17, v18;
	_ =	sdelay $0x1  }
0x2f3: {  	s30 =	sadd.s32 s2, s16;
	[tilespmem:v7+s26+$0x0] =	vst.idx.msk $0xffff, v17  }
0x2f4: {  	s6 =	sadd.s32 s2, s14;
	v17 =	vld [tilespmem:s30+$0x980]  }
0x2f5: {  	v18 =	vld [tilespmem:s6+$0x8990]  }
0x2f6: {  	v19 =	vld [tilespmem:s6+$0x8980]  }
0x2f7: {  	v56 =	vld [tilespmem:s30+$0x990];
	_ =	sdelay $0x4  }
0x2f8: {  	v17 =	vmul.f32 v19, v17;
	v18 =	vmul.f32 v18, v56;
	_ =	sdelay $0x1  }
0x2f9: {  	v17 =	vadd.f32 v18, v17;
	_ =	sdelay $0x1  }
0x2fa: {  	s7 =	sadd.s32 s2, s11;
	[tilespmem:v8+s26+$0x0] =	vst.idx.msk $0xffff, v17  }
0x2fb: {  	s12 =	sshll.u32 s12, $0x5;
	v17 =	vld [tilespmem:s7+$0xA00]  }
0x2fc: {  	s8 =	sadd.s32 s2, s12;
	v18 =	vld [tilespmem:s7+$0xA10]  }
0x2fd: {  	v19 =	vld [tilespmem:s8+$0x8A10]  }
0x2fe: {  	v57 =	vld [tilespmem:s8+$0x8A00];
	_ =	sdelay $0x4  }
0x2ff: {  	v17 =	vmul.f32 v57, v17;
	v18 =	vmul.f32 v19, v18;
	_ =	sdelay $0x1  }
0x300: {  	v17 =	vadd.f32 v18, v17;
	_ =	sdelay $0x1  }
0x301: {  	s10 =	sshll.u32 s10, $0x5;
	s11 =	sadd.s32 s2, s9;
	[tilespmem:v9+s26+$0x0] =	vst.idx.msk $0xffff, v17  }
0x302: {  	s12 =	sadd.s32 s2, s10;
	v17 =	vld [tilespmem:s11+$0xA90]  }
0x303: {  	v18 =	vld [tilespmem:s12+$0x8A90]  }
0x304: {  	v19 =	vld [tilespmem:s11+$0xA80]  }
0x305: {  	v58 =	vld [tilespmem:s12+$0x8A80];
	_ =	sdelay $0x4  }
0x306: {  	v17 =	vmul.f32 v18, v17;
	v18 =	vmul.f32 v58, v19;
	_ =	sdelay $0x1  }
0x307: {  	v17 =	vadd.f32 v17, v18;
	_ =	sdelay $0x1  }
0x308: {  	s14 =	sadd.s32 s2, s23;
	[tilespmem:v10+s26+$0x0] =	vst.idx.msk $0xffff, v17  }
0x309: {  	v17 =	vld [tilespmem:s14+$0xB00]  }
0x30a: {  	s15 =	sadd.s32 s2, s24;
	v18 =	vld [tilespmem:s14+$0xB10]  }
0x30b: {  	v19 =	vld [tilespmem:s15+$0x8B10]  }
0x30c: {  	v59 =	vld [tilespmem:s15+$0x8B00];
	_ =	sdelay $0x4  }
0x30d: {  	v17 =	vmul.f32 v59, v17;
	v18 =	vmul.f32 v19, v18;
	_ =	sdelay $0x1  }
0x30e: {  	v17 =	vadd.f32 v18, v17;
	_ =	sdelay $0x1  }
0x30f: {  	s16 =	sadd.s32 s2, s21;
	[tilespmem:v11+s26+$0x0] =	vst.idx.msk $0xffff, v17  }
0x310: {  	s21 =	sadd.s32 s2, s22;
	v17 =	vld [tilespmem:s16+$0xB90]  }
0x311: {  	v18 =	vld [tilespmem:s21+$0x8B90]  }
0x312: {  	v19 =	vld [tilespmem:s16+$0xB80]  }
0x313: {  	v60 =	vld [tilespmem:s21+$0x8B80];
	_ =	sdelay $0x4  }
0x314: {  	v17 =	vmul.f32 v18, v17;
	v18 =	vmul.f32 v60, v19;
	_ =	sdelay $0x1  }
0x315: {  	v17 =	vadd.f32 v17, v18  }
0x316: {  	s28 =	sshll.u32 s28, $0x5  }
0x317: {  	s22 =	sadd.s32 s2, s28;
	[tilespmem:v12+s26+$0x0] =	vst.idx.msk $0xffff, v17  }
0x318: {  	v17 =	vld [tilespmem:s22+$0xC00]  }
0x319: {  	s23 =	sadd.s32 s2, s13;
	v18 =	vld [tilespmem:s22+$0xC10]  }
0x31a: {  	v19 =	vld [tilespmem:s23+$0x8C10]  }
0x31b: {  	v61 =	vld [tilespmem:s23+$0x8C00];
	_ =	sdelay $0x4  }
0x31c: {  	v17 =	vmul.f32 v61, v17;
	v18 =	vmul.f32 v19, v18;
	_ =	sdelay $0x1  }
0x31d: {  	v17 =	vadd.f32 v18, v17  }
0x31e: {  	s24 =	rddreg [dreg:$0xe]  }
0x31f: {  	s0 =	sadd.s32 s2, s24;
	[tilespmem:v13+s26+$0x0] =	vst.idx.msk $0xffff, v17  }
0x320: {  	s25 =	sadd.s32 s2, s20;
	v17 =	vld [tilespmem:s0+$0xC90]  }
0x321: {  	v18 =	vld [tilespmem:s25+$0x8C90]  }
0x322: {  	v19 =	vld [tilespmem:s0+$0xC80]  }
0x323: {  	v62 =	vld [tilespmem:s25+$0x8C80];
	_ =	sdelay $0x4  }
0x324: {  	v17 =	vmul.f32 v18, v17;
	v18 =	vmul.f32 v62, v19;
	_ =	sdelay $0x1  }
0x325: {  	v17 =	vadd.f32 v17, v18;
	_ =	sdelay $0x1  }
0x326: {  	s28 =	sadd.s32 s2, s17;
	[tilespmem:v14+s26+$0x0] =	vst.idx.msk $0xffff, v17  }
0x327: {  	s18 =	sshll.u32 s18, $0x5;
	v17 =	vld [tilespmem:s28+$0xD00]  }
0x328: {  	s29 =	sadd.s32 s2, s18;
	v18 =	vld [tilespmem:s28+$0xD10]  }
0x329: {  	v19 =	vld [tilespmem:s29+$0x8D10]  }
0x32a: {  	v63 =	vld [tilespmem:s29+$0x8D00];
	_ =	sdelay $0x3  }
0x32b: {  	p0 =	sne.s32 s1, $0x1E000  }
.Ltmp3:
0x32c: {  	v17 =	vmul.f32 v63, v17;
	v18 =	vmul.f32 v19, v18;
	(pc) =	sbr.rel @p0 .LBB2_8-.Ltmp3, $4  }
0x32d: {  	_ = 	snop  }
0x32e: {  	v17 =	vadd.f32 v18, v17  }
0x32f: {  	s1 =	sadd.s32 $0x2000, s1;
	s30 =	rddreg [dreg:$0xc]  }
0x330: {  	s3 =	sadd.s32 s2, s3;
	s4 =	rddreg [dreg:$0xa];
	s2 =	sadd.s32 s2, s30;
	[tilespmem:v15+s26+$0x0] =	vst.idx.msk $0xffff, v17  }
0x331: {  	v1 =	vld [tilespmem:s2+$0xD90]  }
0x332: {  	v2 =	vld [tilespmem:s3+$0x8D90]  }
0x333: {  	v3 =	vld [tilespmem:s2+$0xD80]  }
0x334: {  	v4 =	vld [tilespmem:s3+$0x8D80];
	_ =	sdelay $0x4  }
0x335: {  	v1 =	vmul.f32 v2, v1;
	v2 =	vmul.f32 v4, v3;
	_ =	sdelay $0x1  }
0x336: {  	v1 =	vadd.f32 v1, v2;
	_ =	sdelay $0x1  }
0x337: {  	[tilespmem:v16+s26+$0x0] =	vst.idx.msk $0xffff, v1  }
0x338: {  	v1 =	vld [tilespmem:$0x10D00]  }
0x339: {  	v2 =	vld [tilespmem:$0x10D10];
	_ =	sdelay $0x1  }
0x33a: {  	v3 =	vld [tilespmem:$0x10D20];
	_ =	sdelay $0x1  }
0x33b: {  	v59 =	vld [tilespmem:$0x10D30]  }
0x33c: {  	v1 =	vadd.f32 v2, v1  }
0x33d: {  	v2 =	vld [tilespmem:$0x10D40]  }
0x33e: {  	v1 =	vadd.f32 v3, v1  }
0x33f: {  	v3 =	vld [tilespmem:$0x10D50]  }
0x340: {  	v1 =	vadd.f32 v59, v1  }
0x341: {  	v60 =	vld [tilespmem:$0x10D60]  }
0x342: {  	v1 =	vadd.f32 v2, v1  }
0x343: {  	v2 =	vld [tilespmem:$0x10D70]  }
0x344: {  	v1 =	vadd.f32 v3, v1  }
0x345: {  	v3 =	vld [tilespmem:$0x10D80]  }
0x346: {  	v1 =	vadd.f32 v60, v1  }
0x347: {  	v61 =	vld [tilespmem:$0x10D90]  }
0x348: {  	v1 =	vadd.f32 v2, v1  }
0x349: {  	v2 =	vld [tilespmem:$0x10DA0]  }
0x34a: {  	v1 =	vadd.f32 v3, v1  }
0x34b: {  	v3 =	vld [tilespmem:$0x10DB0]  }
0x34c: {  	v1 =	vadd.f32 v61, v1  }
0x34d: {  	v62 =	vld [tilespmem:$0x10DC0]  }
0x34e: {  	v1 =	vadd.f32 v2, v1  }
0x34f: {  	v2 =	vld [tilespmem:$0x10DD0]  }
0x350: {  	v1 =	vadd.f32 v3, v1  }
0x351: {  	v3 =	vld [tilespmem:$0x10DE0]  }
0x352: {  	v1 =	vadd.f32 v62, v1  }
0x353: {  	v63 =	vld [tilespmem:$0x10DF0]  }
0x354: {  	v1 =	vadd.f32 v2, v1;
	_ =	sdelay $0x1  }
0x355: {  	v1 =	vadd.f32 v3, v1;
	_ =	sdelay $0x1  }
0x356: {  	v1 =	vadd.f32 v63, v1;
	_ =	sdelay $0x1  }
0x357: {  	s0 =	simm.s32 $0x1;
	[tilespmem:s4+$0x0] =	vst v1  }
0x358: {  	_ =	swait.ge [sflag:s0], $0x200  }
0x359: {  	[sflag:s0] =	ssyncset.done $0x0  }
0x35a: {  	[sflag:s0] =	ssyncadd.s32 $0xFFFFFE00  }
0x35b: {  	_ =	swait.ge [sflag:s0], $0x200  }
0x35c: {  	[sflag:s0] =	ssyncset.done $0x0  }
0x35d: {  	s1 =	simm.s32 $0x40;
	[sflag:s0] =	ssyncadd.s32 $0xFFFFFE00;
	s0 =	simm.s32 $0x0  }
.LBB2_10:
0x35e: {  	p0 =	sne.s32 s1, $0x7C0;
	v1 =	vld [tilespmem:s0+$0x10A00];
	_ =	sdelay $0x1  }
0x35f: {  	v2 =	vld [tilespmem:s0+$0x10600];
	_ =	sdelay $0x1  }
0x360: {  	v3 =	vld [tilespmem:s0+$0x10800]  }
0x361: {  	v1 =	vadd.f32 v1, v0;
	_ =	sdelay $0x1  }
.Ltmp4:
0x362: {  	v1 =	vadd.f32 v2, v1;
	(pc) =	sbr.rel @p0 .LBB2_10-.Ltmp4, $3  }
0x363: {  	_ = 	snop  }
0x364: {  	v1 =	vadd.f32 v3, v1;
	_ =	sdelay $0x1  }
0x365: {  	[tilespmem:s0+$0x10A00] =	vst v1;
	s0 =	sshra.s32 s1, $0x2;
	s1 =	sadd.s32 $0x40, s1  }
0x366: {  	v1 =	vld [tilespmem:s0+$0x10A00];
	_ =	sdelay $0x1  }
0x367: {  	v2 =	vld [tilespmem:s0+$0x10600];
	_ =	sdelay $0x1  }
0x368: {  	v3 =	vld [tilespmem:s0+$0x10800]  }
0x369: {  	v0 =	vadd.f32 v1, v0;
	_ =	sdelay $0x1  }
0x36a: {  	v0 =	vadd.f32 v2, v0;
	_ =	sdelay $0x1  }
0x36b: {  	v0 =	vadd.f32 v3, v0  }
0x36c: {  	s9 =	simm.s32 $0x0  }
0x36d: {  	s29 =	rddreg [dreg:$0x13];
	s1 =	simm.s32 $0x10A00;
	s3 =	simm.s32 $0x2;
	[tilespmem:s0+$0x10A00] =	vst v0  }
0x36e: {  	[hbm4b:s29+s9] =	stream.linear.scatter [tilespmem:s1], [sflag:$0x2], $0x200, $0x38;
	[tilespmem:$0x10E00] =	vst v63  }
0x36f: {  	_ =	swait.ge [sflag:s3], $0x200  }
0x370: {  	s30 =	rddreg [dreg:$0x15]  }
0x371: {  	s31 =	rddreg [dreg:$0x14];
	s1 =	sadd.s32 $0x1, s30  }
0x372: {  	p0 =	sne.s32 s1, s31  }
.Ltmp5:
0x373: {  	_ = 	snop;
	(pc) =	sbr.rel @p0 .LBB2_1-.Ltmp5, $3  }
0x374: {  	_ =	sdelay $0x1  }
0x375: {  	[sflag:s3] =	ssyncset.done $0x0  }
0x376: {  	[sflag:s3] =	ssyncadd.s32 $0xFFFFFE00  }
0x377: {  	_ =	sfence.sel $0x180000  }
0x378: {  	[bflag:$0x0] =	sbarrier.arrive $0xFFFF  }
0x379: {  	_ =	strace $0x90000047  }
0x37a: {  	s0 =	stileid.u32;
	[bflag:$0x2] =	sbarrier.arrive $0xFFFF  }
0x37b: {  	p0 =	sne.s32 s0, $0x0;
	s0 =	rddreg [dreg:$0x8]  }
0x37c: {  	s0 =	sadd.s32 @!p0 $0x100000, s0  }
0x37d: {  	[sflag:s0] =	ssyncadd.tile.s32 @!p0 $0x1;
	_ =	shalt  }
.Lfunc_end2:
_tile_overlayer_lowered:
.L_overlay_start_2:
0x37e: {  	(tag) =	ssettag $0x2  }
0x37f: {  	s0 =	rddreg [dreg:$0x0];
	s2 =	stileid.u32  }
0x380: {  	s1 =	rddreg [dreg:$0x1];
	p0 =	sne.s32 s2, $0x0  }
0x381: {  	s3 =	rddreg [dreg:$0x2];
	[bflag:$0x3] =	sbarrier.arrive $0xFFFF;
	s2 =	simm.s32 @!p0 $0x1C02  }
0x382: {  	[timem:s3], [sflag:s2] =	dma.local @!p0 [hbm:s0], s1  }
0x383: {  	s0 =	simm.s32 @!p0 $0x2  }
0x384: {  	_ =	swait.ge @!p0 [sflag:s0], s1  }
0x385: {  	s1 =	ssub.s32 @!p0 $0x0, s1;
	[sflag:s0] =	ssyncset.done @!p0 $0x0  }
0x386: {  	[sflag:s0] =	ssyncadd.s32 @!p0 s1  }
0x387: {  	[bflag:$0x3] =	sbarrier.arrive $0xFFFF  }
0x388: {  	_ =	shalt  }

</sc_bundles>
